<compile_context>
chip_gen: v7x
topology: tpu7x:2x2x1
jax: 0.10.2.dev20260603
libtpu: 0.0.44.dev20260713+nightly
codegen_flags: <defaults>
</compile_context>

<pallas_src>
import functools

import jax
import jax.numpy as jnp
from jax import lax
from jax.experimental import pallas as pl
from jax.experimental.pallas import tpu as pltpu
from jax.experimental.pallas import tpu_sc as plsc

N = 10000
D = 128
E = 320000

NC = 2
NS = 16
NW = NC * NS
CHUNK = 128
CPT = 79
EPAD = NW * CPT * CHUNK
NPAD = 10112
RPT = NPAD // NS
BR = 400

_sc_mesh = plsc.VectorSubcoreMesh(core_axis_name="c", subcore_axis_name="s")


def _make_sc_agg(with_cnt):
    out_type = [jax.ShapeDtypeStruct((NC, NPAD, D), jnp.float32)]
    if with_cnt:
        out_type.append(jax.ShapeDtypeStruct((NC * NPAD,), jnp.float32))
        scratch = [
            pltpu.VMEM((CPT, CHUNK), jnp.int32),
            pltpu.VMEM((CPT, CHUNK), jnp.int32),
            pltpu.VMEM((CHUNK, D), jnp.float32),
            pltpu.VMEM((CHUNK,), jnp.float32),
            pltpu.VMEM((RPT,), jnp.float32),
            pltpu.VMEM_SHARED((NPAD, D), jnp.float32),
            pltpu.VMEM_SHARED((NPAD,), jnp.float32),
            pltpu.SemaphoreType.DMA,
            pltpu.SemaphoreType.DMA,
        ]
    else:
        scratch = [
            pltpu.VMEM((CPT, CHUNK), jnp.int32),
            pltpu.VMEM((CPT, CHUNK), jnp.int32),
            pltpu.VMEM((CHUNK, D), jnp.float32),
            pltpu.VMEM_SHARED((NPAD, D), jnp.float32),
            pltpu.SemaphoreType.DMA,
            pltpu.SemaphoreType.DMA,
        ]

    @functools.partial(pl.kernel, mesh=_sc_mesh, out_type=out_type,
                       scratch_types=scratch,
                       compiler_params=pltpu.CompilerParams(use_tc_tiling_on_sc=False))
    def _sc_agg(y_hbm, srcs_hbm, dsts_hbm, z2d_hbm, z1d_hbm, ones_hbm,
                part_hbm, *rest):
        if with_cnt:
            cnt_hbm, idx_s, idx_d, rows, ones_v, cbuf, acc, cntacc, sem0, sem1 = rest
        else:
            idx_s, idx_d, rows, acc, sem0, sem1 = rest
        c = lax.axis_index("c")
        s = lax.axis_index("s")
        w = c * NS + s
        pltpu.sync_copy(z2d_hbm.at[pl.ds(s * RPT, RPT)], acc.at[pl.ds(s * RPT, RPT)])
        pltpu.sync_copy(srcs_hbm.at[w], idx_s)
        pltpu.sync_copy(dsts_hbm.at[w], idx_d)
        if with_cnt:
            pltpu.sync_copy(z1d_hbm.at[pl.ds(0, RPT)], cbuf)
            pltpu.sync_copy(cbuf, cntacc.at[pl.ds(s * RPT, RPT)])
            pltpu.sync_copy(ones_hbm, ones_v)
        plsc.subcore_barrier()

        half = CHUNK // 2

        def body(i, carry):
            cp0 = pltpu.async_copy(
                y_hbm.at[idx_s.at[i, pl.ds(0, half)]], rows.at[pl.ds(0, half)], sem0)
            cp1 = pltpu.async_copy(
                y_hbm.at[idx_s.at[i, pl.ds(half, half)]], rows.at[pl.ds(half, half)], sem1)
            cp0.wait()
            cp1.wait()
            pltpu.sync_copy(rows, acc.at[idx_d.at[i]], add=True)
            if with_cnt:
                pltpu.sync_copy(ones_v, cntacc.at[idx_d.at[i]], add=True)
            return carry

        lax.fori_loop(0, CPT, body, 0)

        plsc.subcore_barrier()
        pltpu.sync_copy(acc.at[pl.ds(s * RPT, RPT)], part_hbm.at[c, pl.ds(s * RPT, RPT)])
        if with_cnt:
            pltpu.sync_copy(cntacc.at[pl.ds(s * RPT, RPT)], cbuf)
            pltpu.sync_copy(cbuf, cnt_hbm.at[pl.ds(c * NPAD + s * RPT, RPT)])

    return _sc_agg


_sc_agg_cnt = _make_sc_agg(True)
_sc_agg_lean = _make_sc_agg(False)


def _lin2_body(x_ref, wl_ref, wr_ref, b_ref, y_ref, r_ref):
    xb = x_ref[...]
    y_ref[...] = jnp.dot(xb, wl_ref[...], preferred_element_type=jnp.float32)
    r_ref[...] = jnp.dot(xb, wr_ref[...], preferred_element_type=jnp.float32) + b_ref[...]


_tc_lin2 = pl.pallas_call(
    _lin2_body,
    grid=(N // BR,),
    in_specs=[
        pl.BlockSpec((BR, D), lambda i: (i, 0)),
        pl.BlockSpec((D, D), lambda i: (0, 0)),
        pl.BlockSpec((D, D), lambda i: (0, 0)),
        pl.BlockSpec((1, D), lambda i: (0, 0)),
    ],
    out_specs=[
        pl.BlockSpec((BR, D), lambda i: (i, 0)),
        pl.BlockSpec((BR, D), lambda i: (i, 0)),
    ],
    out_shape=[
        jax.ShapeDtypeStruct((N, D), jnp.float32),
        jax.ShapeDtypeStruct((N, D), jnp.float32),
    ],
)


def _mid_body(part_ref, cnt_ref, r1_ref, wl_ref, wr_ref, b_ref, y_ref, r_ref):
    seg = part_ref[0] + part_ref[1]
    cnt = jnp.maximum(cnt_ref[0] + cnt_ref[1], 1.0)
    h = jnp.maximum(seg / cnt + r1_ref[...], 0.0)
    y_ref[...] = jnp.dot(h, wl_ref[...], preferred_element_type=jnp.float32)
    r_ref[...] = jnp.dot(h, wr_ref[...], preferred_element_type=jnp.float32) + b_ref[...]


_tc_mid = pl.pallas_call(
    _mid_body,
    grid=(N // BR,),
    in_specs=[
        pl.BlockSpec((NC, BR, D), lambda i: (0, i, 0)),
        pl.BlockSpec((NC, BR, 1), lambda i: (0, i, 0)),
        pl.BlockSpec((BR, D), lambda i: (i, 0)),
        pl.BlockSpec((D, D), lambda i: (0, 0)),
        pl.BlockSpec((D, D), lambda i: (0, 0)),
        pl.BlockSpec((1, D), lambda i: (0, 0)),
    ],
    out_specs=[
        pl.BlockSpec((BR, D), lambda i: (i, 0)),
        pl.BlockSpec((BR, D), lambda i: (i, 0)),
    ],
    out_shape=[
        jax.ShapeDtypeStruct((N, D), jnp.float32),
        jax.ShapeDtypeStruct((N, D), jnp.float32),
    ],
)


def _fin_body(part_ref, cnt_ref, r2_ref, o_ref):
    seg = part_ref[0] + part_ref[1]
    cnt = jnp.maximum(cnt_ref[0] + cnt_ref[1], 1.0)
    o_ref[...] = seg / cnt + r2_ref[...]


_tc_fin = pl.pallas_call(
    _fin_body,
    grid=(N // BR,),
    in_specs=[
        pl.BlockSpec((NC, BR, D), lambda i: (0, i, 0)),
        pl.BlockSpec((NC, BR, 1), lambda i: (0, i, 0)),
        pl.BlockSpec((BR, D), lambda i: (i, 0)),
    ],
    out_specs=pl.BlockSpec((BR, D), lambda i: (i, 0)),
    out_shape=jax.ShapeDtypeStruct((N, D), jnp.float32),
)


def kernel(x, edge_index, W_l1, b_l1, W_r1, W_l2, b_l2, W_r2):
    src = edge_index[0]
    dst = edge_index[1]
    pad = EPAD - E
    srcs = jnp.concatenate([src, jnp.zeros((pad,), jnp.int32)]).reshape(NW, CPT, CHUNK)
    dsts = jnp.concatenate([dst, jnp.full((pad,), N, jnp.int32)]).reshape(NW, CPT, CHUNK)
    z2d = jnp.zeros((NPAD, D), jnp.float32)
    z1d = jnp.zeros((NPAD,), jnp.float32)
    ones = jnp.ones((CHUNK,), jnp.float32)
    b1 = b_l1.reshape(1, D)
    b2 = b_l2.reshape(1, D)

    y1, r1 = _tc_lin2(x, W_l1, W_r1, b1)
    part1, cnt = _sc_agg_cnt(y1, srcs, dsts, z2d, z1d, ones)
    cnt3 = cnt.reshape(NC, NPAD, 1)
    y2, r2 = _tc_mid(part1, cnt3, r1, W_l2, W_r2, b2)
    (part2,) = _sc_agg_lean(y2, srcs, dsts, z2d, z1d, ones)
    return _tc_fin(part2, cnt3, r2)

# --- scband reference (transcript-rebuilt; emitter-appended) ---
"""Pipeline reference for scband-graph-sage-5342939316751 (READ-ONLY COPY).

The authoritative reference and input builder live on the scoring server;
editing this copy changes nothing except your own understanding.
"""

import jax, jax.numpy as jnp
import numpy as np

N_NODES = 10000
N_EDGES = 320000
D_IN = 128
D_HID = 128
D_OUT = 128


def setup_inputs(seed: int = 0) -> dict:
    key = jax.random.key(seed)
    ks = jax.random.split(key, 8)
    x = jax.random.normal(ks[0], (N_NODES, D_IN), dtype=jnp.float32)
    edge_index = jax.random.randint(ks[1], (2, N_EDGES), 0, N_NODES, dtype=jnp.int32)
    s1 = 1.0 / np.sqrt(D_IN)
    s2 = 1.0 / np.sqrt(D_HID)
    W_l1 = jax.random.uniform(ks[2], (D_IN, D_HID), dtype=jnp.float32, minval=-s1, maxval=s1)
    b_l1 = jnp.zeros((D_HID,), dtype=jnp.float32)
    W_r1 = jax.random.uniform(ks[3], (D_IN, D_HID), dtype=jnp.float32, minval=-s1, maxval=s1)
    W_l2 = jax.random.uniform(ks[4], (D_HID, D_OUT), dtype=jnp.float32, minval=-s2, maxval=s2)
    b_l2 = jnp.zeros((D_OUT,), dtype=jnp.float32)
    W_r2 = jax.random.uniform(ks[5], (D_HID, D_OUT), dtype=jnp.float32, minval=-s2, maxval=s2)
    return {"x": x, "edge_index": edge_index, "W_l1": W_l1, "b_l1": b_l1, "W_r1": W_r1,
            "W_l2": W_l2, "b_l2": b_l2, "W_r2": W_r2}


def _sage_conv(x, edge_index, W_l, b_l, W_r):
    # SAGEConv with mean aggregation:
    # out = lin_l(mean_{j in N(i)} x_j) + lin_r(x_i)
    src = edge_index[0]
    dst = edge_index[1]
    msgs = jnp.take(x, src, axis=0)                       # gather  [E, d]
    n = x.shape[0]
    summed = jax.ops.segment_sum(msgs, dst, num_segments=n)  # scatter-add
    cnt = jax.ops.segment_sum(jnp.ones((edge_index.shape[1],), dtype=x.dtype), dst, num_segments=n)
    mean = summed / jnp.clip(cnt, 1.0, None)[:, None]
    return mean @ W_l + b_l + x @ W_r


def reference(x, edge_index, W_l1, b_l1, W_r1, W_l2, b_l2, W_r2):
    h = _sage_conv(x, edge_index, W_l1, b_l1, W_r1)
    h = jax.nn.relu(h)
    # dropout is identity in eval mode
    out = _sage_conv(h, edge_index, W_l2, b_l2, W_r2)
    return out

if __name__ == "__main__":
    import jax
    _d = setup_inputs()
    print(jax.jit(kernel)(*tuple(_d.values())))

</pallas_src>

<mosaic_0001>
#map = affine_map<(d0, d1) -> (0, 0)>
#map1 = affine_map<(d0, d1) -> (0, 0, 0)>
#map2 = affine_map<(d0, d1) -> (0)>
module attributes {stable_mosaic.version = 14 : i64} {
  func.func @_sc_agg(%arg0: i32, %arg1: i32, %arg2: memref<10000x128xf32, #tpu.memory_space<hbm>>, %arg3: memref<32x79x128xi32, #tpu.memory_space<hbm>>, %arg4: memref<32x79x128xi32, #tpu.memory_space<hbm>>, %arg5: memref<10112x128xf32, #tpu.memory_space<hbm>>, %arg6: memref<10112xf32, #tpu.memory_space<hbm>>, %arg7: memref<128xf32, #tpu.memory_space<hbm>>, %arg8: memref<2x10112x128xf32, #tpu.memory_space<hbm>>, %arg9: memref<20224xf32, #tpu.memory_space<hbm>>, %arg10: memref<79x128xi32, #tpu.memory_space<vmem>>, %arg11: memref<79x128xi32, #tpu.memory_space<vmem>>, %arg12: memref<128x128xf32, #tpu.memory_space<vmem>>, %arg13: memref<128xf32, #tpu.memory_space<vmem>>, %arg14: memref<632xf32, #tpu.memory_space<vmem>>, %arg15: memref<10112x128xf32, #tpu.memory_space<vmem_shared>>, %arg16: memref<10112xf32, #tpu.memory_space<vmem_shared>>, %arg17: memref<!tpu.dma_semaphore, #tpu.memory_space<semaphore_mem>>, %arg18: memref<!tpu.dma_semaphore, #tpu.memory_space<semaphore_mem>>) attributes {dimension_semantics = [#tpu.dimension_semantics<core_parallel>, #tpu.dimension_semantics<subcore_parallel>], iteration_bounds = array<i64: 2, 16>, scalar_prefetch = 0 : i64, scratch_operands = 9 : i64, tpu.core_type = #tpu.core_type<sc_vector_subcore>, window_params = [{transform_indices = #map}, {transform_indices = #map1}, {transform_indices = #map1}, {transform_indices = #map}, {transform_indices = #map2}, {transform_indices = #map2}, {transform_indices = #map1}, {transform_indices = #map2}]} {
    %mul3A = arith.constant 16 : i32
    %mul3A_0 = arith.muli %arg0, %mul3A : i32
    %add3A = arith.addi %mul3A_0, %arg1 : i32
    %mul3A_1 = arith.constant 632 : i32
    %mul3A_2 = arith.muli %arg1, %mul3A_1 : i32
    %mul3A_3 = arith.constant 632 : i32
    %mul3A_4 = arith.muli %arg1, %mul3A_3 : i32
    "tpu.region"() ({
      %run_scoped3A = tpu.sem_alloc : memref<!tpu.dma_semaphore, #tpu.memory_space<semaphore_mem>>
      %dma_start3A = arith.constant 0 : i32
      %dma_start3A_24 = tpu.memref_slice %arg15[%mul3A_4, %dma_start3A] : memref<10112x128xf32, #tpu.memory_space<vmem_shared>> -> memref<632x128xf32, #tpu.memory_space<vmem_shared>>
      %dma_start3A_25 = arith.constant 0 : i32
      %dma_start3A_26 = tpu.memref_slice %arg5[%mul3A_2, %dma_start3A_25] : memref<10112x128xf32, #tpu.memory_space<hbm>> -> memref<632x128xf32, #tpu.memory_space<hbm>>
      tpu.enqueue_dma source(%dma_start3A_26 : memref<632x128xf32, #tpu.memory_space<hbm>>) target(%dma_start3A_24 : memref<632x128xf32, #tpu.memory_space<vmem_shared>>) target_semaphore(%run_scoped3A : memref<!tpu.dma_semaphore, #tpu.memory_space<semaphore_mem>>)
      %dma_wait3A = arith.constant 0 : i32
      %dma_wait3A_27 = tpu.memref_slice %arg15[%mul3A_4, %dma_wait3A] : memref<10112x128xf32, #tpu.memory_space<vmem_shared>> -> memref<632x128xf32, #tpu.memory_space<vmem_shared>>
      %dma_wait3A_28 = arith.constant 0 : i32
      %dma_wait3A_29 = tpu.memref_slice %arg5[%mul3A_2, %dma_wait3A_28] : memref<10112x128xf32, #tpu.memory_space<hbm>> -> memref<632x128xf32, #tpu.memory_space<hbm>>
      tpu.wait_dma2 semaphore(%run_scoped3A : memref<!tpu.dma_semaphore, #tpu.memory_space<semaphore_mem>>) src(%dma_wait3A_29 : memref<632x128xf32, #tpu.memory_space<hbm>>) dst(%dma_wait3A_27 : memref<632x128xf32, #tpu.memory_space<vmem_shared>>)
      tpu.yield
    }) : () -> ()
    "tpu.region"() ({
      %run_scoped3A = tpu.sem_alloc : memref<!tpu.dma_semaphore, #tpu.memory_space<semaphore_mem>>
      %dma_start3A = arith.constant 0 : i32
      %dma_start3A_24 = arith.constant 0 : i32
      %dma_start3A_25 = tpu.memref_slice %arg3[%add3A, %dma_start3A, %dma_start3A_24] : memref<32x79x128xi32, #tpu.memory_space<hbm>> -> memref<1x79x128xi32, #tpu.memory_space<hbm>>
      %dma_start3A_26 = tpu.memref_squeeze %dma_start3A_25 : memref<1x79x128xi32, #tpu.memory_space<hbm>> -> memref<79x128xi32, #tpu.memory_space<hbm>>
      %dma_start3A_27 = arith.constant 0 : i32
      %dma_start3A_28 = arith.constant 0 : i32
      %dma_start3A_29 = tpu.memref_slice %arg3[%add3A, %dma_start3A_27, %dma_start3A_28] : memref<32x79x128xi32, #tpu.memory_space<hbm>> -> memref<1x79x128xi32, #tpu.memory_space<hbm>>
      %dma_start3A_30 = tpu.memref_squeeze %dma_start3A_29 : memref<1x79x128xi32, #tpu.memory_space<hbm>> -> memref<79x128xi32, #tpu.memory_space<hbm>>
      tpu.enqueue_dma source(%dma_start3A_30 : memref<79x128xi32, #tpu.memory_space<hbm>>) target(%arg10 : memref<79x128xi32, #tpu.memory_space<vmem>>) target_semaphore(%run_scoped3A : memref<!tpu.dma_semaphore, #tpu.memory_space<semaphore_mem>>)
      %dma_wait3A = arith.constant 0 : i32
      %dma_wait3A_31 = arith.constant 0 : i32
      %dma_wait3A_32 = tpu.memref_slice %arg3[%add3A, %dma_wait3A, %dma_wait3A_31] : memref<32x79x128xi32, #tpu.memory_space<hbm>> -> memref<1x79x128xi32, #tpu.memory_space<hbm>>
      %dma_wait3A_33 = tpu.memref_squeeze %dma_wait3A_32 : memref<1x79x128xi32, #tpu.memory_space<hbm>> -> memref<79x128xi32, #tpu.memory_space<hbm>>
      %dma_wait3A_34 = arith.constant 0 : i32
      %dma_wait3A_35 = arith.constant 0 : i32
      %dma_wait3A_36 = tpu.memref_slice %arg3[%add3A, %dma_wait3A_34, %dma_wait3A_35] : memref<32x79x128xi32, #tpu.memory_space<hbm>> -> memref<1x79x128xi32, #tpu.memory_space<hbm>>
      %dma_wait3A_37 = tpu.memref_squeeze %dma_wait3A_36 : memref<1x79x128xi32, #tpu.memory_space<hbm>> -> memref<79x128xi32, #tpu.memory_space<hbm>>
      tpu.wait_dma2 semaphore(%run_scoped3A : memref<!tpu.dma_semaphore, #tpu.memory_space<semaphore_mem>>) src(%dma_wait3A_37 : memref<79x128xi32, #tpu.memory_space<hbm>>) dst(%arg10 : memref<79x128xi32, #tpu.memory_space<vmem>>)
      tpu.yield
    }) : () -> ()
    "tpu.region"() ({
      %run_scoped3A = tpu.sem_alloc : memref<!tpu.dma_semaphore, #tpu.memory_space<semaphore_mem>>
      %dma_start3A = arith.constant 0 : i32
      %dma_start3A_24 = arith.constant 0 : i32
      %dma_start3A_25 = tpu.memref_slice %arg4[%add3A, %dma_start3A, %dma_start3A_24] : memref<32x79x128xi32, #tpu.memory_space<hbm>> -> memref<1x79x128xi32, #tpu.memory_space<hbm>>
      %dma_start3A_26 = tpu.memref_squeeze %dma_start3A_25 : memref<1x79x128xi32, #tpu.memory_space<hbm>> -> memref<79x128xi32, #tpu.memory_space<hbm>>
      %dma_start3A_27 = arith.constant 0 : i32
      %dma_start3A_28 = arith.constant 0 : i32
      %dma_start3A_29 = tpu.memref_slice %arg4[%add3A, %dma_start3A_27, %dma_start3A_28] : memref<32x79x128xi32, #tpu.memory_space<hbm>> -> memref<1x79x128xi32, #tpu.memory_space<hbm>>
      %dma_start3A_30 = tpu.memref_squeeze %dma_start3A_29 : memref<1x79x128xi32, #tpu.memory_space<hbm>> -> memref<79x128xi32, #tpu.memory_space<hbm>>
      tpu.enqueue_dma source(%dma_start3A_30 : memref<79x128xi32, #tpu.memory_space<hbm>>) target(%arg11 : memref<79x128xi32, #tpu.memory_space<vmem>>) target_semaphore(%run_scoped3A : memref<!tpu.dma_semaphore, #tpu.memory_space<semaphore_mem>>)
      %dma_wait3A = arith.constant 0 : i32
      %dma_wait3A_31 = arith.constant 0 : i32
      %dma_wait3A_32 = tpu.memref_slice %arg4[%add3A, %dma_wait3A, %dma_wait3A_31] : memref<32x79x128xi32, #tpu.memory_space<hbm>> -> memref<1x79x128xi32, #tpu.memory_space<hbm>>
      %dma_wait3A_33 = tpu.memref_squeeze %dma_wait3A_32 : memref<1x79x128xi32, #tpu.memory_space<hbm>> -> memref<79x128xi32, #tpu.memory_space<hbm>>
      %dma_wait3A_34 = arith.constant 0 : i32
      %dma_wait3A_35 = arith.constant 0 : i32
      %dma_wait3A_36 = tpu.memref_slice %arg4[%add3A, %dma_wait3A_34, %dma_wait3A_35] : memref<32x79x128xi32, #tpu.memory_space<hbm>> -> memref<1x79x128xi32, #tpu.memory_space<hbm>>
      %dma_wait3A_37 = tpu.memref_squeeze %dma_wait3A_36 : memref<1x79x128xi32, #tpu.memory_space<hbm>> -> memref<79x128xi32, #tpu.memory_space<hbm>>
      tpu.wait_dma2 semaphore(%run_scoped3A : memref<!tpu.dma_semaphore, #tpu.memory_space<semaphore_mem>>) src(%dma_wait3A_37 : memref<79x128xi32, #tpu.memory_space<hbm>>) dst(%arg11 : memref<79x128xi32, #tpu.memory_space<vmem>>)
      tpu.yield
    }) : () -> ()
    "tpu.region"() ({
      %run_scoped3A = tpu.sem_alloc : memref<!tpu.dma_semaphore, #tpu.memory_space<semaphore_mem>>
      %dma_start3A = arith.constant 0 : i32
      %dma_start3A_24 = tpu.memref_slice %arg6[%dma_start3A] : memref<10112xf32, #tpu.memory_space<hbm>> -> memref<632xf32, #tpu.memory_space<hbm>>
      %dma_start3A_25 = arith.constant 0 : i32
      %dma_start3A_26 = tpu.memref_slice %arg6[%dma_start3A_25] : memref<10112xf32, #tpu.memory_space<hbm>> -> memref<632xf32, #tpu.memory_space<hbm>>
      tpu.enqueue_dma source(%dma_start3A_26 : memref<632xf32, #tpu.memory_space<hbm>>) target(%arg14 : memref<632xf32, #tpu.memory_space<vmem>>) target_semaphore(%run_scoped3A : memref<!tpu.dma_semaphore, #tpu.memory_space<semaphore_mem>>)
      %dma_wait3A = arith.constant 0 : i32
      %dma_wait3A_27 = tpu.memref_slice %arg6[%dma_wait3A] : memref<10112xf32, #tpu.memory_space<hbm>> -> memref<632xf32, #tpu.memory_space<hbm>>
      %dma_wait3A_28 = arith.constant 0 : i32
      %dma_wait3A_29 = tpu.memref_slice %arg6[%dma_wait3A_28] : memref<10112xf32, #tpu.memory_space<hbm>> -> memref<632xf32, #tpu.memory_space<hbm>>
      tpu.wait_dma2 semaphore(%run_scoped3A : memref<!tpu.dma_semaphore, #tpu.memory_space<semaphore_mem>>) src(%dma_wait3A_29 : memref<632xf32, #tpu.memory_space<hbm>>) dst(%arg14 : memref<632xf32, #tpu.memory_space<vmem>>)
      tpu.yield
    }) : () -> ()
    %mul3A_5 = arith.constant 632 : i32
    %mul3A_6 = arith.muli %arg1, %mul3A_5 : i32
    "tpu.region"() ({
      %run_scoped3A = tpu.sem_alloc : memref<!tpu.dma_semaphore, #tpu.memory_space<semaphore_mem>>
      %dma_start3A = tpu.memref_slice %arg16[%mul3A_6] : memref<10112xf32, #tpu.memory_space<vmem_shared>> -> memref<632xf32, #tpu.memory_space<vmem_shared>>
      %dma_start3A_24 = tpu.memref_slice %arg16[%mul3A_6] : memref<10112xf32, #tpu.memory_space<vmem_shared>> -> memref<632xf32, #tpu.memory_space<vmem_shared>>
      tpu.enqueue_dma source(%arg14 : memref<632xf32, #tpu.memory_space<vmem>>) target(%dma_start3A_24 : memref<632xf32, #tpu.memory_space<vmem_shared>>) target_semaphore(%run_scoped3A : memref<!tpu.dma_semaphore, #tpu.memory_space<semaphore_mem>>)
      %dma_wait3A = tpu.memref_slice %arg16[%mul3A_6] : memref<10112xf32, #tpu.memory_space<vmem_shared>> -> memref<632xf32, #tpu.memory_space<vmem_shared>>
      %dma_wait3A_25 = tpu.memref_slice %arg16[%mul3A_6] : memref<10112xf32, #tpu.memory_space<vmem_shared>> -> memref<632xf32, #tpu.memory_space<vmem_shared>>
      tpu.wait_dma2 semaphore(%run_scoped3A : memref<!tpu.dma_semaphore, #tpu.memory_space<semaphore_mem>>) src(%arg14 : memref<632xf32, #tpu.memory_space<vmem>>) dst(%dma_wait3A_25 : memref<632xf32, #tpu.memory_space<vmem_shared>>)
      tpu.yield
    }) : () -> ()
    "tpu.region"() ({
      %run_scoped3A = tpu.sem_alloc : memref<!tpu.dma_semaphore, #tpu.memory_space<semaphore_mem>>
      tpu.enqueue_dma source(%arg7 : memref<128xf32, #tpu.memory_space<hbm>>) target(%arg13 : memref<128xf32, #tpu.memory_space<vmem>>) target_semaphore(%run_scoped3A : memref<!tpu.dma_semaphore, #tpu.memory_space<semaphore_mem>>)
      tpu.wait_dma2 semaphore(%run_scoped3A : memref<!tpu.dma_semaphore, #tpu.memory_space<semaphore_mem>>) src(%arg7 : memref<128xf32, #tpu.memory_space<hbm>>) dst(%arg13 : memref<128xf32, #tpu.memory_space<vmem>>)
      tpu.yield
    }) : () -> ()
    %barrier3A = arith.constant 0 : index
    tpu.barrier barrier_id(%barrier3A)
    %scan3A = arith.constant 0 : i32
    %scan3A_7 = arith.constant 0 : i32
    %scan3A_8 = arith.constant 79 : i32
    %scan3A_9 = arith.addi %scan3A_7, %scan3A_8 : i32
    %scan3A_10 = arith.constant 1 : i32
    scf.for %scan3A_24 = %scan3A_7 to %scan3A_9 step %scan3A_10  : i32 {
      %dma_start3A = arith.constant 0 : i32
      %dma_start3A_25 = arith.constant 0 : i32
      %dma_start3A_26 = tpu.memref_slice %arg12[%dma_start3A, %dma_start3A_25] : memref<128x128xf32, #tpu.memory_space<vmem>> -> memref<64x128xf32, #tpu.memory_space<vmem>>
      %dma_start3A_27 = arith.constant 0 : i32
      %dma_start3A_28 = tpu.memref_slice %arg10[%scan3A_24, %dma_start3A_27] : memref<79x128xi32, #tpu.memory_space<vmem>> -> memref<1x64xi32, #tpu.memory_space<vmem>>
      %dma_start3A_29 = tpu.memref_squeeze %dma_start3A_28 : memref<1x64xi32, #tpu.memory_space<vmem>> -> memref<64xi32, #tpu.memory_space<vmem>>
      %dma_start3A_30 = arith.constant 0 : i32
      %dma_start3A_31 = arith.constant 0 : i32
      %dma_start3A_32 = tpu.memref_slice %arg2[%dma_start3A_30, %dma_start3A_31] : memref<10000x128xf32, #tpu.memory_space<hbm>> -> memref<10000x128xf32, #tpu.memory_space<hbm>>
      tpu.enqueue_indirect_dma source(%dma_start3A_32 : memref<10000x128xf32, #tpu.memory_space<hbm>>) target(%dma_start3A_26 : memref<64x128xf32, #tpu.memory_space<vmem>>) offsets(%dma_start3A_29 : memref<64xi32, #tpu.memory_space<vmem>>) semaphore(%arg17 : memref<!tpu.dma_semaphore, #tpu.memory_space<semaphore_mem>>)
      %dma_start3A_33 = arith.constant 64 : i32
      %dma_start3A_34 = arith.constant 0 : i32
      %dma_start3A_35 = tpu.memref_slice %arg12[%dma_start3A_33, %dma_start3A_34] : memref<128x128xf32, #tpu.memory_space<vmem>> -> memref<64x128xf32, #tpu.memory_space<vmem>>
      %dma_start3A_36 = arith.constant 64 : i32
      %dma_start3A_37 = tpu.memref_slice %arg10[%scan3A_24, %dma_start3A_36] : memref<79x128xi32, #tpu.memory_space<vmem>> -> memref<1x64xi32, #tpu.memory_space<vmem>>
      %dma_start3A_38 = tpu.memref_squeeze %dma_start3A_37 : memref<1x64xi32, #tpu.memory_space<vmem>> -> memref<64xi32, #tpu.memory_space<vmem>>
      %dma_start3A_39 = arith.constant 0 : i32
      %dma_start3A_40 = arith.constant 0 : i32
      %dma_start3A_41 = tpu.memref_slice %arg2[%dma_start3A_39, %dma_start3A_40] : memref<10000x128xf32, #tpu.memory_space<hbm>> -> memref<10000x128xf32, #tpu.memory_space<hbm>>
      tpu.enqueue_indirect_dma source(%dma_start3A_41 : memref<10000x128xf32, #tpu.memory_space<hbm>>) target(%dma_start3A_35 : memref<64x128xf32, #tpu.memory_space<vmem>>) offsets(%dma_start3A_38 : memref<64xi32, #tpu.memory_space<vmem>>) semaphore(%arg18 : memref<!tpu.dma_semaphore, #tpu.memory_space<semaphore_mem>>)
      %dma_wait3A = arith.constant 0 : i32
      %dma_wait3A_42 = arith.constant 0 : i32
      %dma_wait3A_43 = tpu.memref_slice %arg12[%dma_wait3A, %dma_wait3A_42] : memref<128x128xf32, #tpu.memory_space<vmem>> -> memref<64x128xf32, #tpu.memory_space<vmem>>
      %dma_wait3A_44 = arith.constant 0 : i32
      %dma_wait3A_45 = tpu.memref_slice %arg10[%scan3A_24, %dma_wait3A_44] : memref<79x128xi32, #tpu.memory_space<vmem>> -> memref<1x64xi32, #tpu.memory_space<vmem>>
      %dma_wait3A_46 = tpu.memref_squeeze %dma_wait3A_45 : memref<1x64xi32, #tpu.memory_space<vmem>> -> memref<64xi32, #tpu.memory_space<vmem>>
      %dma_wait3A_47 = arith.constant 0 : i32
      %dma_wait3A_48 = arith.constant 0 : i32
      %dma_wait3A_49 = tpu.memref_slice %arg2[%dma_wait3A_47, %dma_wait3A_48] : memref<10000x128xf32, #tpu.memory_space<hbm>> -> memref<10000x128xf32, #tpu.memory_space<hbm>>
      tpu.wait_indirect_dma semaphore(%arg17 : memref<!tpu.dma_semaphore, #tpu.memory_space<semaphore_mem>>) src(%dma_wait3A_49 : memref<10000x128xf32, #tpu.memory_space<hbm>>) dst(%dma_wait3A_43 : memref<64x128xf32, #tpu.memory_space<vmem>>)
      %dma_wait3A_50 = arith.constant 64 : i32
      %dma_wait3A_51 = arith.constant 0 : i32
      %dma_wait3A_52 = tpu.memref_slice %arg12[%dma_wait3A_50, %dma_wait3A_51] : memref<128x128xf32, #tpu.memory_space<vmem>> -> memref<64x128xf32, #tpu.memory_space<vmem>>
      %dma_wait3A_53 = arith.constant 64 : i32
      %dma_wait3A_54 = tpu.memref_slice %arg10[%scan3A_24, %dma_wait3A_53] : memref<79x128xi32, #tpu.memory_space<vmem>> -> memref<1x64xi32, #tpu.memory_space<vmem>>
      %dma_wait3A_55 = tpu.memref_squeeze %dma_wait3A_54 : memref<1x64xi32, #tpu.memory_space<vmem>> -> memref<64xi32, #tpu.memory_space<vmem>>
      %dma_wait3A_56 = arith.constant 0 : i32
      %dma_wait3A_57 = arith.constant 0 : i32
      %dma_wait3A_58 = tpu.memref_slice %arg2[%dma_wait3A_56, %dma_wait3A_57] : memref<10000x128xf32, #tpu.memory_space<hbm>> -> memref<10000x128xf32, #tpu.memory_space<hbm>>
      tpu.wait_indirect_dma semaphore(%arg18 : memref<!tpu.dma_semaphore, #tpu.memory_space<semaphore_mem>>) src(%dma_wait3A_58 : memref<10000x128xf32, #tpu.memory_space<hbm>>) dst(%dma_wait3A_52 : memref<64x128xf32, #tpu.memory_space<vmem>>)
      "tpu.region"() ({
        %run_scoped3A = tpu.sem_alloc : memref<!tpu.dma_semaphore, #tpu.memory_space<semaphore_mem>>
        %dma_start3A_59 = arith.constant 0 : i32
        %dma_start3A_60 = tpu.memref_slice %arg11[%scan3A_24, %dma_start3A_59] : memref<79x128xi32, #tpu.memory_space<vmem>> -> memref<1x128xi32, #tpu.memory_space<vmem>>
        %dma_start3A_61 = tpu.memref_squeeze %dma_start3A_60 : memref<1x128xi32, #tpu.memory_space<vmem>> -> memref<128xi32, #tpu.memory_space<vmem>>
        %dma_start3A_62 = arith.constant 0 : i32
        %dma_start3A_63 = arith.constant 0 : i32
        %dma_start3A_64 = tpu.memref_slice %arg15[%dma_start3A_62, %dma_start3A_63] : memref<10112x128xf32, #tpu.memory_space<vmem_shared>> -> memref<10112x128xf32, #tpu.memory_space<vmem_shared>>
        tpu.enqueue_indirect_dma source(%arg12 : memref<128x128xf32, #tpu.memory_space<vmem>>) target(%dma_start3A_64 : memref<10112x128xf32, #tpu.memory_space<vmem_shared>>) offsets(%dma_start3A_61 : memref<128xi32, #tpu.memory_space<vmem>>) semaphore(%run_scoped3A : memref<!tpu.dma_semaphore, #tpu.memory_space<semaphore_mem>>) {add = true}
        %dma_wait3A_65 = arith.constant 0 : i32
        %dma_wait3A_66 = tpu.memref_slice %arg11[%scan3A_24, %dma_wait3A_65] : memref<79x128xi32, #tpu.memory_space<vmem>> -> memref<1x128xi32, #tpu.memory_space<vmem>>
        %dma_wait3A_67 = tpu.memref_squeeze %dma_wait3A_66 : memref<1x128xi32, #tpu.memory_space<vmem>> -> memref<128xi32, #tpu.memory_space<vmem>>
        %dma_wait3A_68 = arith.constant 0 : i32
        %dma_wait3A_69 = arith.constant 0 : i32
        %dma_wait3A_70 = tpu.memref_slice %arg15[%dma_wait3A_68, %dma_wait3A_69] : memref<10112x128xf32, #tpu.memory_space<vmem_shared>> -> memref<10112x128xf32, #tpu.memory_space<vmem_shared>>
        tpu.wait_indirect_dma semaphore(%run_scoped3A : memref<!tpu.dma_semaphore, #tpu.memory_space<semaphore_mem>>) src(%arg12 : memref<128x128xf32, #tpu.memory_space<vmem>>) dst(%dma_wait3A_70 : memref<10112x128xf32, #tpu.memory_space<vmem_shared>>)
        tpu.yield
      }) : () -> ()
      "tpu.region"() ({
        %run_scoped3A = tpu.sem_alloc : memref<!tpu.dma_semaphore, #tpu.memory_space<semaphore_mem>>
        %dma_start3A_59 = arith.constant 0 : i32
        %dma_start3A_60 = tpu.memref_slice %arg11[%scan3A_24, %dma_start3A_59] : memref<79x128xi32, #tpu.memory_space<vmem>> -> memref<1x128xi32, #tpu.memory_space<vmem>>
        %dma_start3A_61 = tpu.memref_squeeze %dma_start3A_60 : memref<1x128xi32, #tpu.memory_space<vmem>> -> memref<128xi32, #tpu.memory_space<vmem>>
        %dma_start3A_62 = arith.constant 0 : i32
        %dma_start3A_63 = tpu.memref_slice %arg16[%dma_start3A_62] : memref<10112xf32, #tpu.memory_space<vmem_shared>> -> memref<10112xf32, #tpu.memory_space<vmem_shared>>
        tpu.enqueue_indirect_dma source(%arg13 : memref<128xf32, #tpu.memory_space<vmem>>) target(%dma_start3A_63 : memref<10112xf32, #tpu.memory_space<vmem_shared>>) offsets(%dma_start3A_61 : memref<128xi32, #tpu.memory_space<vmem>>) semaphore(%run_scoped3A : memref<!tpu.dma_semaphore, #tpu.memory_space<semaphore_mem>>) {add = true}
        %dma_wait3A_64 = arith.constant 0 : i32
        %dma_wait3A_65 = tpu.memref_slice %arg11[%scan3A_24, %dma_wait3A_64] : memref<79x128xi32, #tpu.memory_space<vmem>> -> memref<1x128xi32, #tpu.memory_space<vmem>>
        %dma_wait3A_66 = tpu.memref_squeeze %dma_wait3A_65 : memref<1x128xi32, #tpu.memory_space<vmem>> -> memref<128xi32, #tpu.memory_space<vmem>>
        %dma_wait3A_67 = arith.constant 0 : i32
        %dma_wait3A_68 = tpu.memref_slice %arg16[%dma_wait3A_67] : memref<10112xf32, #tpu.memory_space<vmem_shared>> -> memref<10112xf32, #tpu.memory_space<vmem_shared>>
        tpu.wait_indirect_dma semaphore(%run_scoped3A : memref<!tpu.dma_semaphore, #tpu.memory_space<semaphore_mem>>) src(%arg13 : memref<128xf32, #tpu.memory_space<vmem>>) dst(%dma_wait3A_68 : memref<10112xf32, #tpu.memory_space<vmem_shared>>)
        tpu.yield
      }) : () -> ()
    }
    %scan3A_11 = arith.constant 79 : i32
    %barrier3A_12 = arith.constant 0 : index
    tpu.barrier barrier_id(%barrier3A_12)
    %mul3A_13 = arith.constant 632 : i32
    %mul3A_14 = arith.muli %arg1, %mul3A_13 : i32
    %mul3A_15 = arith.constant 632 : i32
    %mul3A_16 = arith.muli %arg1, %mul3A_15 : i32
    "tpu.region"() ({
      %run_scoped3A = tpu.sem_alloc : memref<!tpu.dma_semaphore, #tpu.memory_space<semaphore_mem>>
      %dma_start3A = arith.constant 0 : i32
      %dma_start3A_24 = tpu.memref_slice %arg8[%arg0, %mul3A_16, %dma_start3A] : memref<2x10112x128xf32, #tpu.memory_space<hbm>> -> memref<1x632x128xf32, #tpu.memory_space<hbm>>
      %dma_start3A_25 = tpu.memref_squeeze %dma_start3A_24 : memref<1x632x128xf32, #tpu.memory_space<hbm>> -> memref<632x128xf32, #tpu.memory_space<hbm>>
      %dma_start3A_26 = arith.constant 0 : i32
      %dma_start3A_27 = tpu.memref_slice %arg15[%mul3A_14, %dma_start3A_26] : memref<10112x128xf32, #tpu.memory_space<vmem_shared>> -> memref<632x128xf32, #tpu.memory_space<vmem_shared>>
      tpu.enqueue_dma source(%dma_start3A_27 : memref<632x128xf32, #tpu.memory_space<vmem_shared>>) target(%dma_start3A_25 : memref<632x128xf32, #tpu.memory_space<hbm>>) target_semaphore(%run_scoped3A : memref<!tpu.dma_semaphore, #tpu.memory_space<semaphore_mem>>)
      %dma_wait3A = arith.constant 0 : i32
      %dma_wait3A_28 = tpu.memref_slice %arg8[%arg0, %mul3A_16, %dma_wait3A] : memref<2x10112x128xf32, #tpu.memory_space<hbm>> -> memref<1x632x128xf32, #tpu.memory_space<hbm>>
      %dma_wait3A_29 = tpu.memref_squeeze %dma_wait3A_28 : memref<1x632x128xf32, #tpu.memory_space<hbm>> -> memref<632x128xf32, #tpu.memory_space<hbm>>
      %dma_wait3A_30 = arith.constant 0 : i32
      %dma_wait3A_31 = tpu.memref_slice %arg15[%mul3A_14, %dma_wait3A_30] : memref<10112x128xf32, #tpu.memory_space<vmem_shared>> -> memref<632x128xf32, #tpu.memory_space<vmem_shared>>
      tpu.wait_dma2 semaphore(%run_scoped3A : memref<!tpu.dma_semaphore, #tpu.memory_space<semaphore_mem>>) src(%dma_wait3A_31 : memref<632x128xf32, #tpu.memory_space<vmem_shared>>) dst(%dma_wait3A_29 : memref<632x128xf32, #tpu.memory_space<hbm>>)
      tpu.yield
    }) : () -> ()
    %mul3A_17 = arith.constant 632 : i32
    %mul3A_18 = arith.muli %arg1, %mul3A_17 : i32
    "tpu.region"() ({
      %run_scoped3A = tpu.sem_alloc : memref<!tpu.dma_semaphore, #tpu.memory_space<semaphore_mem>>
      %dma_start3A = tpu.memref_slice %arg16[%mul3A_18] : memref<10112xf32, #tpu.memory_space<vmem_shared>> -> memref<632xf32, #tpu.memory_space<vmem_shared>>
      %dma_start3A_24 = tpu.memref_slice %arg16[%mul3A_18] : memref<10112xf32, #tpu.memory_space<vmem_shared>> -> memref<632xf32, #tpu.memory_space<vmem_shared>>
      tpu.enqueue_dma source(%dma_start3A_24 : memref<632xf32, #tpu.memory_space<vmem_shared>>) target(%arg14 : memref<632xf32, #tpu.memory_space<vmem>>) target_semaphore(%run_scoped3A : memref<!tpu.dma_semaphore, #tpu.memory_space<semaphore_mem>>)
      %dma_wait3A = tpu.memref_slice %arg16[%mul3A_18] : memref<10112xf32, #tpu.memory_space<vmem_shared>> -> memref<632xf32, #tpu.memory_space<vmem_shared>>
      %dma_wait3A_25 = tpu.memref_slice %arg16[%mul3A_18] : memref<10112xf32, #tpu.memory_space<vmem_shared>> -> memref<632xf32, #tpu.memory_space<vmem_shared>>
      tpu.wait_dma2 semaphore(%run_scoped3A : memref<!tpu.dma_semaphore, #tpu.memory_space<semaphore_mem>>) src(%dma_wait3A_25 : memref<632xf32, #tpu.memory_space<vmem_shared>>) dst(%arg14 : memref<632xf32, #tpu.memory_space<vmem>>)
      tpu.yield
    }) : () -> ()
    %mul3A_19 = arith.constant 10112 : i32
    %mul3A_20 = arith.muli %arg0, %mul3A_19 : i32
    %mul3A_21 = arith.constant 632 : i32
    %mul3A_22 = arith.muli %arg1, %mul3A_21 : i32
    %add3A_23 = arith.addi %mul3A_20, %mul3A_22 : i32
    "tpu.region"() ({
      %run_scoped3A = tpu.sem_alloc : memref<!tpu.dma_semaphore, #tpu.memory_space<semaphore_mem>>
      %dma_start3A = tpu.memref_slice %arg9[%add3A_23] : memref<20224xf32, #tpu.memory_space<hbm>> -> memref<632xf32, #tpu.memory_space<hbm>>
      %dma_start3A_24 = tpu.memref_slice %arg9[%add3A_23] : memref<20224xf32, #tpu.memory_space<hbm>> -> memref<632xf32, #tpu.memory_space<hbm>>
      tpu.enqueue_dma source(%arg14 : memref<632xf32, #tpu.memory_space<vmem>>) target(%dma_start3A_24 : memref<632xf32, #tpu.memory_space<hbm>>) target_semaphore(%run_scoped3A : memref<!tpu.dma_semaphore, #tpu.memory_space<semaphore_mem>>)
      %dma_wait3A = tpu.memref_slice %arg9[%add3A_23] : memref<20224xf32, #tpu.memory_space<hbm>> -> memref<632xf32, #tpu.memory_space<hbm>>
      %dma_wait3A_25 = tpu.memref_slice %arg9[%add3A_23] : memref<20224xf32, #tpu.memory_space<hbm>> -> memref<632xf32, #tpu.memory_space<hbm>>
      tpu.wait_dma2 semaphore(%run_scoped3A : memref<!tpu.dma_semaphore, #tpu.memory_space<semaphore_mem>>) src(%arg14 : memref<632xf32, #tpu.memory_space<vmem>>) dst(%dma_wait3A_25 : memref<632xf32, #tpu.memory_space<hbm>>)
      tpu.yield
    }) : () -> ()
    return
  }
}

#map = affine_map<(d0, d1) -> (0, 0)>
#map1 = affine_map<(d0, d1) -> (0, 0, 0)>
#map2 = affine_map<(d0, d1) -> (0)>
module attributes {stable_mosaic.version = 14 : i64} {
  func.func @_sc_agg(%arg0: i32, %arg1: i32, %arg2: memref<10000x128xf32, #tpu.memory_space<hbm>>, %arg3: memref<32x79x128xi32, #tpu.memory_space<hbm>>, %arg4: memref<32x79x128xi32, #tpu.memory_space<hbm>>, %arg5: memref<10112x128xf32, #tpu.memory_space<hbm>>, %arg6: memref<10112xf32, #tpu.memory_space<hbm>>, %arg7: memref<128xf32, #tpu.memory_space<hbm>>, %arg8: memref<2x10112x128xf32, #tpu.memory_space<hbm>>, %arg9: memref<79x128xi32, #tpu.memory_space<vmem>>, %arg10: memref<79x128xi32, #tpu.memory_space<vmem>>, %arg11: memref<128x128xf32, #tpu.memory_space<vmem>>, %arg12: memref<10112x128xf32, #tpu.memory_space<vmem_shared>>, %arg13: memref<!tpu.dma_semaphore, #tpu.memory_space<semaphore_mem>>, %arg14: memref<!tpu.dma_semaphore, #tpu.memory_space<semaphore_mem>>) attributes {dimension_semantics = [#tpu.dimension_semantics<core_parallel>, #tpu.dimension_semantics<subcore_parallel>], iteration_bounds = array<i64: 2, 16>, scalar_prefetch = 0 : i64, scratch_operands = 6 : i64, tpu.core_type = #tpu.core_type<sc_vector_subcore>, window_params = [{transform_indices = #map}, {transform_indices = #map1}, {transform_indices = #map1}, {transform_indices = #map}, {transform_indices = #map2}, {transform_indices = #map2}, {transform_indices = #map1}]} {
    %mul3A = arith.constant 16 : i32
    %mul3A_0 = arith.muli %arg0, %mul3A : i32
    %add3A = arith.addi %mul3A_0, %arg1 : i32
    %mul3A_1 = arith.constant 632 : i32
    %mul3A_2 = arith.muli %arg1, %mul3A_1 : i32
    %mul3A_3 = arith.constant 632 : i32
    %mul3A_4 = arith.muli %arg1, %mul3A_3 : i32
    "tpu.region"() ({
      %run_scoped3A = tpu.sem_alloc : memref<!tpu.dma_semaphore, #tpu.memory_space<semaphore_mem>>
      %dma_start3A = arith.constant 0 : i32
      %dma_start3A_15 = tpu.memref_slice %arg12[%mul3A_4, %dma_start3A] : memref<10112x128xf32, #tpu.memory_space<vmem_shared>> -> memref<632x128xf32, #tpu.memory_space<vmem_shared>>
      %dma_start3A_16 = arith.constant 0 : i32
      %dma_start3A_17 = tpu.memref_slice %arg5[%mul3A_2, %dma_start3A_16] : memref<10112x128xf32, #tpu.memory_space<hbm>> -> memref<632x128xf32, #tpu.memory_space<hbm>>
      tpu.enqueue_dma source(%dma_start3A_17 : memref<632x128xf32, #tpu.memory_space<hbm>>) target(%dma_start3A_15 : memref<632x128xf32, #tpu.memory_space<vmem_shared>>) target_semaphore(%run_scoped3A : memref<!tpu.dma_semaphore, #tpu.memory_space<semaphore_mem>>)
      %dma_wait3A = arith.constant 0 : i32
      %dma_wait3A_18 = tpu.memref_slice %arg12[%mul3A_4, %dma_wait3A] : memref<10112x128xf32, #tpu.memory_space<vmem_shared>> -> memref<632x128xf32, #tpu.memory_space<vmem_shared>>
      %dma_wait3A_19 = arith.constant 0 : i32
      %dma_wait3A_20 = tpu.memref_slice %arg5[%mul3A_2, %dma_wait3A_19] : memref<10112x128xf32, #tpu.memory_space<hbm>> -> memref<632x128xf32, #tpu.memory_space<hbm>>
      tpu.wait_dma2 semaphore(%run_scoped3A : memref<!tpu.dma_semaphore, #tpu.memory_space<semaphore_mem>>) src(%dma_wait3A_20 : memref<632x128xf32, #tpu.memory_space<hbm>>) dst(%dma_wait3A_18 : memref<632x128xf32, #tpu.memory_space<vmem_shared>>)
      tpu.yield
    }) : () -> ()
    "tpu.region"() ({
      %run_scoped3A = tpu.sem_alloc : memref<!tpu.dma_semaphore, #tpu.memory_space<semaphore_mem>>
      %dma_start3A = arith.constant 0 : i32
      %dma_start3A_15 = arith.constant 0 : i32
      %dma_start3A_16 = tpu.memref_slice %arg3[%add3A, %dma_start3A, %dma_start3A_15] : memref<32x79x128xi32, #tpu.memory_space<hbm>> -> memref<1x79x128xi32, #tpu.memory_space<hbm>>
      %dma_start3A_17 = tpu.memref_squeeze %dma_start3A_16 : memref<1x79x128xi32, #tpu.memory_space<hbm>> -> memref<79x128xi32, #tpu.memory_space<hbm>>
      %dma_start3A_18 = arith.constant 0 : i32
      %dma_start3A_19 = arith.constant 0 : i32
      %dma_start3A_20 = tpu.memref_slice %arg3[%add3A, %dma_start3A_18, %dma_start3A_19] : memref<32x79x128xi32, #tpu.memory_space<hbm>> -> memref<1x79x128xi32, #tpu.memory_space<hbm>>
      %dma_start3A_21 = tpu.memref_squeeze %dma_start3A_20 : memref<1x79x128xi32, #tpu.memory_space<hbm>> -> memref<79x128xi32, #tpu.memory_space<hbm>>
      tpu.enqueue_dma source(%dma_start3A_21 : memref<79x128xi32, #tpu.memory_space<hbm>>) target(%arg9 : memref<79x128xi32, #tpu.memory_space<vmem>>) target_semaphore(%run_scoped3A : memref<!tpu.dma_semaphore, #tpu.memory_space<semaphore_mem>>)
      %dma_wait3A = arith.constant 0 : i32
      %dma_wait3A_22 = arith.constant 0 : i32
      %dma_wait3A_23 = tpu.memref_slice %arg3[%add3A, %dma_wait3A, %dma_wait3A_22] : memref<32x79x128xi32, #tpu.memory_space<hbm>> -> memref<1x79x128xi32, #tpu.memory_space<hbm>>
      %dma_wait3A_24 = tpu.memref_squeeze %dma_wait3A_23 : memref<1x79x128xi32, #tpu.memory_space<hbm>> -> memref<79x128xi32, #tpu.memory_space<hbm>>
      %dma_wait3A_25 = arith.constant 0 : i32
      %dma_wait3A_26 = arith.constant 0 : i32
      %dma_wait3A_27 = tpu.memref_slice %arg3[%add3A, %dma_wait3A_25, %dma_wait3A_26] : memref<32x79x128xi32, #tpu.memory_space<hbm>> -> memref<1x79x128xi32, #tpu.memory_space<hbm>>
      %dma_wait3A_28 = tpu.memref_squeeze %dma_wait3A_27 : memref<1x79x128xi32, #tpu.memory_space<hbm>> -> memref<79x128xi32, #tpu.memory_space<hbm>>
      tpu.wait_dma2 semaphore(%run_scoped3A : memref<!tpu.dma_semaphore, #tpu.memory_space<semaphore_mem>>) src(%dma_wait3A_28 : memref<79x128xi32, #tpu.memory_space<hbm>>) dst(%arg9 : memref<79x128xi32, #tpu.memory_space<vmem>>)
      tpu.yield
    }) : () -> ()
    "tpu.region"() ({
      %run_scoped3A = tpu.sem_alloc : memref<!tpu.dma_semaphore, #tpu.memory_space<semaphore_mem>>
      %dma_start3A = arith.constant 0 : i32
      %dma_start3A_15 = arith.constant 0 : i32
      %dma_start3A_16 = tpu.memref_slice %arg4[%add3A, %dma_start3A, %dma_start3A_15] : memref<32x79x128xi32, #tpu.memory_space<hbm>> -> memref<1x79x128xi32, #tpu.memory_space<hbm>>
      %dma_start3A_17 = tpu.memref_squeeze %dma_start3A_16 : memref<1x79x128xi32, #tpu.memory_space<hbm>> -> memref<79x128xi32, #tpu.memory_space<hbm>>
      %dma_start3A_18 = arith.constant 0 : i32
      %dma_start3A_19 = arith.constant 0 : i32
      %dma_start3A_20 = tpu.memref_slice %arg4[%add3A, %dma_start3A_18, %dma_start3A_19] : memref<32x79x128xi32, #tpu.memory_space<hbm>> -> memref<1x79x128xi32, #tpu.memory_space<hbm>>
      %dma_start3A_21 = tpu.memref_squeeze %dma_start3A_20 : memref<1x79x128xi32, #tpu.memory_space<hbm>> -> memref<79x128xi32, #tpu.memory_space<hbm>>
      tpu.enqueue_dma source(%dma_start3A_21 : memref<79x128xi32, #tpu.memory_space<hbm>>) target(%arg10 : memref<79x128xi32, #tpu.memory_space<vmem>>) target_semaphore(%run_scoped3A : memref<!tpu.dma_semaphore, #tpu.memory_space<semaphore_mem>>)
      %dma_wait3A = arith.constant 0 : i32
      %dma_wait3A_22 = arith.constant 0 : i32
      %dma_wait3A_23 = tpu.memref_slice %arg4[%add3A, %dma_wait3A, %dma_wait3A_22] : memref<32x79x128xi32, #tpu.memory_space<hbm>> -> memref<1x79x128xi32, #tpu.memory_space<hbm>>
      %dma_wait3A_24 = tpu.memref_squeeze %dma_wait3A_23 : memref<1x79x128xi32, #tpu.memory_space<hbm>> -> memref<79x128xi32, #tpu.memory_space<hbm>>
      %dma_wait3A_25 = arith.constant 0 : i32
      %dma_wait3A_26 = arith.constant 0 : i32
      %dma_wait3A_27 = tpu.memref_slice %arg4[%add3A, %dma_wait3A_25, %dma_wait3A_26] : memref<32x79x128xi32, #tpu.memory_space<hbm>> -> memref<1x79x128xi32, #tpu.memory_space<hbm>>
      %dma_wait3A_28 = tpu.memref_squeeze %dma_wait3A_27 : memref<1x79x128xi32, #tpu.memory_space<hbm>> -> memref<79x128xi32, #tpu.memory_space<hbm>>
      tpu.wait_dma2 semaphore(%run_scoped3A : memref<!tpu.dma_semaphore, #tpu.memory_space<semaphore_mem>>) src(%dma_wait3A_28 : memref<79x128xi32, #tpu.memory_space<hbm>>) dst(%arg10 : memref<79x128xi32, #tpu.memory_space<vmem>>)
      tpu.yield
    }) : () -> ()
    %barrier3A = arith.constant 0 : index
    tpu.barrier barrier_id(%barrier3A)
    %scan3A = arith.constant 0 : i32
    %scan3A_5 = arith.constant 0 : i32
    %scan3A_6 = arith.constant 79 : i32
    %scan3A_7 = arith.addi %scan3A_5, %scan3A_6 : i32
    %scan3A_8 = arith.constant 1 : i32
    scf.for %scan3A_15 = %scan3A_5 to %scan3A_7 step %scan3A_8  : i32 {
      %dma_start3A = arith.constant 0 : i32
      %dma_start3A_16 = arith.constant 0 : i32
      %dma_start3A_17 = tpu.memref_slice %arg11[%dma_start3A, %dma_start3A_16] : memref<128x128xf32, #tpu.memory_space<vmem>> -> memref<64x128xf32, #tpu.memory_space<vmem>>
      %dma_start3A_18 = arith.constant 0 : i32
      %dma_start3A_19 = tpu.memref_slice %arg9[%scan3A_15, %dma_start3A_18] : memref<79x128xi32, #tpu.memory_space<vmem>> -> memref<1x64xi32, #tpu.memory_space<vmem>>
      %dma_start3A_20 = tpu.memref_squeeze %dma_start3A_19 : memref<1x64xi32, #tpu.memory_space<vmem>> -> memref<64xi32, #tpu.memory_space<vmem>>
      %dma_start3A_21 = arith.constant 0 : i32
      %dma_start3A_22 = arith.constant 0 : i32
      %dma_start3A_23 = tpu.memref_slice %arg2[%dma_start3A_21, %dma_start3A_22] : memref<10000x128xf32, #tpu.memory_space<hbm>> -> memref<10000x128xf32, #tpu.memory_space<hbm>>
      tpu.enqueue_indirect_dma source(%dma_start3A_23 : memref<10000x128xf32, #tpu.memory_space<hbm>>) target(%dma_start3A_17 : memref<64x128xf32, #tpu.memory_space<vmem>>) offsets(%dma_start3A_20 : memref<64xi32, #tpu.memory_space<vmem>>) semaphore(%arg13 : memref<!tpu.dma_semaphore, #tpu.memory_space<semaphore_mem>>)
      %dma_start3A_24 = arith.constant 64 : i32
      %dma_start3A_25 = arith.constant 0 : i32
      %dma_start3A_26 = tpu.memref_slice %arg11[%dma_start3A_24, %dma_start3A_25] : memref<128x128xf32, #tpu.memory_space<vmem>> -> memref<64x128xf32, #tpu.memory_space<vmem>>
      %dma_start3A_27 = arith.constant 64 : i32
      %dma_start3A_28 = tpu.memref_slice %arg9[%scan3A_15, %dma_start3A_27] : memref<79x128xi32, #tpu.memory_space<vmem>> -> memref<1x64xi32, #tpu.memory_space<vmem>>
      %dma_start3A_29 = tpu.memref_squeeze %dma_start3A_28 : memref<1x64xi32, #tpu.memory_space<vmem>> -> memref<64xi32, #tpu.memory_space<vmem>>
      %dma_start3A_30 = arith.constant 0 : i32
      %dma_start3A_31 = arith.constant 0 : i32
      %dma_start3A_32 = tpu.memref_slice %arg2[%dma_start3A_30, %dma_start3A_31] : memref<10000x128xf32, #tpu.memory_space<hbm>> -> memref<10000x128xf32, #tpu.memory_space<hbm>>
      tpu.enqueue_indirect_dma source(%dma_start3A_32 : memref<10000x128xf32, #tpu.memory_space<hbm>>) target(%dma_start3A_26 : memref<64x128xf32, #tpu.memory_space<vmem>>) offsets(%dma_start3A_29 : memref<64xi32, #tpu.memory_space<vmem>>) semaphore(%arg14 : memref<!tpu.dma_semaphore, #tpu.memory_space<semaphore_mem>>)
      %dma_wait3A = arith.constant 0 : i32
      %dma_wait3A_33 = arith.constant 0 : i32
      %dma_wait3A_34 = tpu.memref_slice %arg11[%dma_wait3A, %dma_wait3A_33] : memref<128x128xf32, #tpu.memory_space<vmem>> -> memref<64x128xf32, #tpu.memory_space<vmem>>
      %dma_wait3A_35 = arith.constant 0 : i32
      %dma_wait3A_36 = tpu.memref_slice %arg9[%scan3A_15, %dma_wait3A_35] : memref<79x128xi32, #tpu.memory_space<vmem>> -> memref<1x64xi32, #tpu.memory_space<vmem>>
      %dma_wait3A_37 = tpu.memref_squeeze %dma_wait3A_36 : memref<1x64xi32, #tpu.memory_space<vmem>> -> memref<64xi32, #tpu.memory_space<vmem>>
      %dma_wait3A_38 = arith.constant 0 : i32
      %dma_wait3A_39 = arith.constant 0 : i32
      %dma_wait3A_40 = tpu.memref_slice %arg2[%dma_wait3A_38, %dma_wait3A_39] : memref<10000x128xf32, #tpu.memory_space<hbm>> -> memref<10000x128xf32, #tpu.memory_space<hbm>>
      tpu.wait_indirect_dma semaphore(%arg13 : memref<!tpu.dma_semaphore, #tpu.memory_space<semaphore_mem>>) src(%dma_wait3A_40 : memref<10000x128xf32, #tpu.memory_space<hbm>>) dst(%dma_wait3A_34 : memref<64x128xf32, #tpu.memory_space<vmem>>)
      %dma_wait3A_41 = arith.constant 64 : i32
      %dma_wait3A_42 = arith.constant 0 : i32
      %dma_wait3A_43 = tpu.memref_slice %arg11[%dma_wait3A_41, %dma_wait3A_42] : memref<128x128xf32, #tpu.memory_space<vmem>> -> memref<64x128xf32, #tpu.memory_space<vmem>>
      %dma_wait3A_44 = arith.constant 64 : i32
      %dma_wait3A_45 = tpu.memref_slice %arg9[%scan3A_15, %dma_wait3A_44] : memref<79x128xi32, #tpu.memory_space<vmem>> -> memref<1x64xi32, #tpu.memory_space<vmem>>
      %dma_wait3A_46 = tpu.memref_squeeze %dma_wait3A_45 : memref<1x64xi32, #tpu.memory_space<vmem>> -> memref<64xi32, #tpu.memory_space<vmem>>
      %dma_wait3A_47 = arith.constant 0 : i32
      %dma_wait3A_48 = arith.constant 0 : i32
      %dma_wait3A_49 = tpu.memref_slice %arg2[%dma_wait3A_47, %dma_wait3A_48] : memref<10000x128xf32, #tpu.memory_space<hbm>> -> memref<10000x128xf32, #tpu.memory_space<hbm>>
      tpu.wait_indirect_dma semaphore(%arg14 : memref<!tpu.dma_semaphore, #tpu.memory_space<semaphore_mem>>) src(%dma_wait3A_49 : memref<10000x128xf32, #tpu.memory_space<hbm>>) dst(%dma_wait3A_43 : memref<64x128xf32, #tpu.memory_space<vmem>>)
      "tpu.region"() ({
        %run_scoped3A = tpu.sem_alloc : memref<!tpu.dma_semaphore, #tpu.memory_space<semaphore_mem>>
        %dma_start3A_50 = arith.constant 0 : i32
        %dma_start3A_51 = tpu.memref_slice %arg10[%scan3A_15, %dma_start3A_50] : memref<79x128xi32, #tpu.memory_space<vmem>> -> memref<1x128xi32, #tpu.memory_space<vmem>>
        %dma_start3A_52 = tpu.memref_squeeze %dma_start3A_51 : memref<1x128xi32, #tpu.memory_space<vmem>> -> memref<128xi32, #tpu.memory_space<vmem>>
        %dma_start3A_53 = arith.constant 0 : i32
        %dma_start3A_54 = arith.constant 0 : i32
        %dma_start3A_55 = tpu.memref_slice %arg12[%dma_start3A_53, %dma_start3A_54] : memref<10112x128xf32, #tpu.memory_space<vmem_shared>> -> memref<10112x128xf32, #tpu.memory_space<vmem_shared>>
        tpu.enqueue_indirect_dma source(%arg11 : memref<128x128xf32, #tpu.memory_space<vmem>>) target(%dma_start3A_55 : memref<10112x128xf32, #tpu.memory_space<vmem_shared>>) offsets(%dma_start3A_52 : memref<128xi32, #tpu.memory_space<vmem>>) semaphore(%run_scoped3A : memref<!tpu.dma_semaphore, #tpu.memory_space<semaphore_mem>>) {add = true}
        %dma_wait3A_56 = arith.constant 0 : i32
        %dma_wait3A_57 = tpu.memref_slice %arg10[%scan3A_15, %dma_wait3A_56] : memref<79x128xi32, #tpu.memory_space<vmem>> -> memref<1x128xi32, #tpu.memory_space<vmem>>
        %dma_wait3A_58 = tpu.memref_squeeze %dma_wait3A_57 : memref<1x128xi32, #tpu.memory_space<vmem>> -> memref<128xi32, #tpu.memory_space<vmem>>
        %dma_wait3A_59 = arith.constant 0 : i32
        %dma_wait3A_60 = arith.constant 0 : i32
        %dma_wait3A_61 = tpu.memref_slice %arg12[%dma_wait3A_59, %dma_wait3A_60] : memref<10112x128xf32, #tpu.memory_space<vmem_shared>> -> memref<10112x128xf32, #tpu.memory_space<vmem_shared>>
        tpu.wait_indirect_dma semaphore(%run_scoped3A : memref<!tpu.dma_semaphore, #tpu.memory_space<semaphore_mem>>) src(%arg11 : memref<128x128xf32, #tpu.memory_space<vmem>>) dst(%dma_wait3A_61 : memref<10112x128xf32, #tpu.memory_space<vmem_shared>>)
        tpu.yield
      }) : () -> ()
    }
    %scan3A_9 = arith.constant 79 : i32
    %barrier3A_10 = arith.constant 0 : index
    tpu.barrier barrier_id(%barrier3A_10)
    %mul3A_11 = arith.constant 632 : i32
    %mul3A_12 = arith.muli %arg1, %mul3A_11 : i32
    %mul3A_13 = arith.constant 632 : i32
    %mul3A_14 = arith.muli %arg1, %mul3A_13 : i32
    "tpu.region"() ({
      %run_scoped3A = tpu.sem_alloc : memref<!tpu.dma_semaphore, #tpu.memory_space<semaphore_mem>>
      %dma_start3A = arith.constant 0 : i32
      %dma_start3A_15 = tpu.memref_slice %arg8[%arg0, %mul3A_14, %dma_start3A] : memref<2x10112x128xf32, #tpu.memory_space<hbm>> -> memref<1x632x128xf32, #tpu.memory_space<hbm>>
      %dma_start3A_16 = tpu.memref_squeeze %dma_start3A_15 : memref<1x632x128xf32, #tpu.memory_space<hbm>> -> memref<632x128xf32, #tpu.memory_space<hbm>>
      %dma_start3A_17 = arith.constant 0 : i32
      %dma_start3A_18 = tpu.memref_slice %arg12[%mul3A_12, %dma_start3A_17] : memref<10112x128xf32, #tpu.memory_space<vmem_shared>> -> memref<632x128xf32, #tpu.memory_space<vmem_shared>>
      tpu.enqueue_dma source(%dma_start3A_18 : memref<632x128xf32, #tpu.memory_space<vmem_shared>>) target(%dma_start3A_16 : memref<632x128xf32, #tpu.memory_space<hbm>>) target_semaphore(%run_scoped3A : memref<!tpu.dma_semaphore, #tpu.memory_space<semaphore_mem>>)
      %dma_wait3A = arith.constant 0 : i32
      %dma_wait3A_19 = tpu.memref_slice %arg8[%arg0, %mul3A_14, %dma_wait3A] : memref<2x10112x128xf32, #tpu.memory_space<hbm>> -> memref<1x632x128xf32, #tpu.memory_space<hbm>>
      %dma_wait3A_20 = tpu.memref_squeeze %dma_wait3A_19 : memref<1x632x128xf32, #tpu.memory_space<hbm>> -> memref<632x128xf32, #tpu.memory_space<hbm>>
      %dma_wait3A_21 = arith.constant 0 : i32
      %dma_wait3A_22 = tpu.memref_slice %arg12[%mul3A_12, %dma_wait3A_21] : memref<10112x128xf32, #tpu.memory_space<vmem_shared>> -> memref<632x128xf32, #tpu.memory_space<vmem_shared>>
      tpu.wait_dma2 semaphore(%run_scoped3A : memref<!tpu.dma_semaphore, #tpu.memory_space<semaphore_mem>>) src(%dma_wait3A_22 : memref<632x128xf32, #tpu.memory_space<vmem_shared>>) dst(%dma_wait3A_20 : memref<632x128xf32, #tpu.memory_space<hbm>>)
      tpu.yield
    }) : () -> ()
    return
  }
}

module attributes {stable_mosaic.version = 14 : i64} {
  func.func @_lin2_body(%arg0: i32, %arg1: memref<400x128xf32, #tpu.memory_space<vmem>>, %arg2: memref<128x128xf32, #tpu.memory_space<vmem>>, %arg3: memref<128x128xf32, #tpu.memory_space<vmem>>, %arg4: memref<1x128xf32, #tpu.memory_space<vmem>>, %arg5: memref<400x128xf32, #tpu.memory_space<vmem>>, %arg6: memref<400x128xf32, #tpu.memory_space<vmem>>) attributes {dimension_semantics = [#tpu.dimension_semantics<arbitrary>], iteration_bounds = array<i64: 25>, scalar_prefetch = 0 : i64, scratch_operands = 0 : i64, tpu.core_type = #tpu.core_type<tc>, window_params = [{transform_indices = @transform_0, window_bounds = array<i64: 400, 128>}, {pipeline_mode = #tpu.pipeline_mode<synchronous>, transform_indices = @transform_1, window_bounds = array<i64: 128, 128>}, {pipeline_mode = #tpu.pipeline_mode<synchronous>, transform_indices = @transform_2, window_bounds = array<i64: 128, 128>}, {pipeline_mode = #tpu.pipeline_mode<synchronous>, transform_indices = @transform_3, window_bounds = array<i64: 1, 128>}, {transform_indices = @transform_4, window_bounds = array<i64: 400, 128>}, {transform_indices = @transform_5, window_bounds = array<i64: 400, 128>}]} {
    %get3A = arith.constant 0 : index
    %get3A_0 = arith.constant 0 : index
    %get3A_1 = vector.load %arg1[%get3A, %get3A_0] : memref<400x128xf32, #tpu.memory_space<vmem>>, vector<400x128xf32>
    %get3A_2 = arith.constant 0 : index
    %get3A_3 = arith.constant 0 : index
    %get3A_4 = vector.load %arg2[%get3A_2, %get3A_3] : memref<128x128xf32, #tpu.memory_space<vmem>>, vector<128x128xf32>
    %dot_general3A = arith.constant dense<0.000000e+00> : vector<400x128xf32>
    %dot_general3A_5 = tpu.matmul %get3A_1, %get3A_4, %dot_general3A {dimension_numbers = #tpu.dot_dimension_numbers<[1], [0], [0], [1], [0, 0, 1, 1], [], []>, transpose_lhs_hint = false} : vector<400x128xf32>, vector<128x128xf32>, vector<400x128xf32> -> vector<400x128xf32>
    %swap3A = arith.constant 0 : index
    %swap3A_6 = arith.constant 0 : index
    %swap3A_7 = vector.load %arg5[%swap3A, %swap3A_6] : memref<400x128xf32, #tpu.memory_space<vmem>>, vector<400x128xf32>
    tpu.vector_store %arg5[%swap3A, %swap3A_6], %dot_general3A_5 {strides = array<i32>} : memref<400x128xf32, #tpu.memory_space<vmem>>, vector<400x128xf32>,
    %get3A_8 = arith.constant 0 : index
    %get3A_9 = arith.constant 0 : index
    %get3A_10 = vector.load %arg3[%get3A_8, %get3A_9] : memref<128x128xf32, #tpu.memory_space<vmem>>, vector<128x128xf32>
    %dot_general3A_11 = arith.constant dense<0.000000e+00> : vector<400x128xf32>
    %dot_general3A_12 = tpu.matmul %get3A_1, %get3A_10, %dot_general3A_11 {dimension_numbers = #tpu.dot_dimension_numbers<[1], [0], [0], [1], [0, 0, 1, 1], [], []>, transpose_lhs_hint = false} : vector<400x128xf32>, vector<128x128xf32>, vector<400x128xf32> -> vector<400x128xf32>
    %get3A_13 = arith.constant 0 : index
    %get3A_14 = arith.constant 0 : index
    %get3A_15 = vector.load %arg4[%get3A_13, %get3A_14] : memref<1x128xf32, #tpu.memory_space<vmem>>, vector<1x128xf32>
    %add3A = vector.broadcast %get3A_15 : vector<1x128xf32> to vector<400x128xf32>
    %add3A_16 = arith.addf %dot_general3A_12, %add3A : vector<400x128xf32>
    %swap3A_17 = arith.constant 0 : index
    %swap3A_18 = arith.constant 0 : index
    %swap3A_19 = vector.load %arg6[%swap3A_17, %swap3A_18] : memref<400x128xf32, #tpu.memory_space<vmem>>, vector<400x128xf32>
    tpu.vector_store %arg6[%swap3A_17, %swap3A_18], %add3A_16 {strides = array<i32>} : memref<400x128xf32, #tpu.memory_space<vmem>>, vector<400x128xf32>,
    return
  }
  func.func @transform_0(%arg0: i32) -> (i32, i32) {
    %c0_i32 = arith.constant 0 : i32
    %c0_i32_0 = arith.constant 0 : i32
    return %arg0, %c0_i32 : i32, i32
  }
  func.func @transform_1(%arg0: i32) -> (i32, i32) {
    %c0_i32 = arith.constant 0 : i32
    %c0_i32_0 = arith.constant 0 : i32
    %c0_i32_1 = arith.constant 0 : i32
    return %c0_i32, %c0_i32_0 : i32, i32
  }
  func.func @transform_2(%arg0: i32) -> (i32, i32) {
    %c0_i32 = arith.constant 0 : i32
    %c0_i32_0 = arith.constant 0 : i32
    %c0_i32_1 = arith.constant 0 : i32
    return %c0_i32, %c0_i32_0 : i32, i32
  }
  func.func @transform_3(%arg0: i32) -> (i32, i32) {
    %c0_i32 = arith.constant 0 : i32
    %c0_i32_0 = arith.constant 0 : i32
    %c0_i32_1 = arith.constant 0 : i32
    return %c0_i32, %c0_i32_0 : i32, i32
  }
  func.func @transform_4(%arg0: i32) -> (i32, i32) {
    %c0_i32 = arith.constant 0 : i32
    %c0_i32_0 = arith.constant 0 : i32
    return %arg0, %c0_i32 : i32, i32
  }
  func.func @transform_5(%arg0: i32) -> (i32, i32) {
    %c0_i32 = arith.constant 0 : i32
    %c0_i32_0 = arith.constant 0 : i32
    return %arg0, %c0_i32 : i32, i32
  }
}

module attributes {stable_mosaic.version = 14 : i64} {
  func.func @_mid_body(%arg0: i32, %arg1: memref<2x400x128xf32, #tpu.memory_space<vmem>>, %arg2: memref<2x400x1xf32, #tpu.memory_space<vmem>>, %arg3: memref<400x128xf32, #tpu.memory_space<vmem>>, %arg4: memref<128x128xf32, #tpu.memory_space<vmem>>, %arg5: memref<128x128xf32, #tpu.memory_space<vmem>>, %arg6: memref<1x128xf32, #tpu.memory_space<vmem>>, %arg7: memref<400x128xf32, #tpu.memory_space<vmem>>, %arg8: memref<400x128xf32, #tpu.memory_space<vmem>>) attributes {dimension_semantics = [#tpu.dimension_semantics<arbitrary>], iteration_bounds = array<i64: 25>, scalar_prefetch = 0 : i64, scratch_operands = 0 : i64, tpu.core_type = #tpu.core_type<tc>, window_params = [{transform_indices = @transform_0, window_bounds = array<i64: 2, 400, 128>}, {transform_indices = @transform_1, window_bounds = array<i64: 2, 400, 1>}, {transform_indices = @transform_2, window_bounds = array<i64: 400, 128>}, {pipeline_mode = #tpu.pipeline_mode<synchronous>, transform_indices = @transform_3, window_bounds = array<i64: 128, 128>}, {pipeline_mode = #tpu.pipeline_mode<synchronous>, transform_indices = @transform_4, window_bounds = array<i64: 128, 128>}, {pipeline_mode = #tpu.pipeline_mode<synchronous>, transform_indices = @transform_5, window_bounds = array<i64: 1, 128>}, {transform_indices = @transform_6, window_bounds = array<i64: 400, 128>}, {transform_indices = @transform_7, window_bounds = array<i64: 400, 128>}]} {
    %get3A = arith.constant 0 : index
    %get3A_0 = arith.constant 0 : index
    %get3A_1 = arith.constant 0 : index
    %get3A_2 = vector.load %arg1[%get3A, %get3A_0, %get3A_1] : memref<2x400x128xf32, #tpu.memory_space<vmem>>, vector<1x400x128xf32>
    %get3A_3 = vector.shape_cast %get3A_2 : vector<1x400x128xf32> to vector<400x128xf32>
    %get3A_4 = arith.constant 1 : index
    %get3A_5 = arith.constant 0 : index
    %get3A_6 = arith.constant 0 : index
    %get3A_7 = vector.load %arg1[%get3A_4, %get3A_5, %get3A_6] : memref<2x400x128xf32, #tpu.memory_space<vmem>>, vector<1x400x128xf32>
    %get3A_8 = vector.shape_cast %get3A_7 : vector<1x400x128xf32> to vector<400x128xf32>
    %add3A = arith.addf %get3A_3, %get3A_8 : vector<400x128xf32>
    %get3A_9 = arith.constant 0 : index
    %get3A_10 = arith.constant 0 : index
    %get3A_11 = arith.constant 0 : index
    %get3A_12 = vector.load %arg2[%get3A_9, %get3A_10, %get3A_11] : memref<2x400x1xf32, #tpu.memory_space<vmem>>, vector<1x400x1xf32>
    %get3A_13 = vector.shape_cast %get3A_12 : vector<1x400x1xf32> to vector<400x1xf32>
    %get3A_14 = arith.constant 1 : index
    %get3A_15 = arith.constant 0 : index
    %get3A_16 = arith.constant 0 : index
    %get3A_17 = vector.load %arg2[%get3A_14, %get3A_15, %get3A_16] : memref<2x400x1xf32, #tpu.memory_space<vmem>>, vector<1x400x1xf32>
    %get3A_18 = vector.shape_cast %get3A_17 : vector<1x400x1xf32> to vector<400x1xf32>
    %add3A_19 = arith.addf %get3A_13, %get3A_18 : vector<400x1xf32>
    %max3A = arith.constant 1.000000e+00 : f32
    %max3A_20 = vector.broadcast %max3A : f32 to vector<400x1xf32>
    %max3A_21 = arith.maximumf %add3A_19, %max3A_20 : vector<400x1xf32>
    %div3A = vector.broadcast %max3A_21 : vector<400x1xf32> to vector<400x128xf32>
    %div3A_22 = arith.divf %add3A, %div3A : vector<400x128xf32>
    %get3A_23 = arith.constant 0 : index
    %get3A_24 = arith.constant 0 : index
    %get3A_25 = vector.load %arg3[%get3A_23, %get3A_24] : memref<400x128xf32, #tpu.memory_space<vmem>>, vector<400x128xf32>
    %add3A_26 = arith.addf %div3A_22, %get3A_25 : vector<400x128xf32>
    %max3A_27 = arith.constant 0.000000e+00 : f32
    %max3A_28 = vector.broadcast %max3A_27 : f32 to vector<400x128xf32>
    %max3A_29 = arith.maximumf %add3A_26, %max3A_28 : vector<400x128xf32>
    %get3A_30 = arith.constant 0 : index
    %get3A_31 = arith.constant 0 : index
    %get3A_32 = vector.load %arg4[%get3A_30, %get3A_31] : memref<128x128xf32, #tpu.memory_space<vmem>>, vector<128x128xf32>
    %dot_general3A = arith.constant dense<0.000000e+00> : vector<400x128xf32>
    %dot_general3A_33 = tpu.matmul %max3A_29, %get3A_32, %dot_general3A {dimension_numbers = #tpu.dot_dimension_numbers<[1], [0], [0], [1], [0, 0, 1, 1], [], []>, transpose_lhs_hint = false} : vector<400x128xf32>, vector<128x128xf32>, vector<400x128xf32> -> vector<400x128xf32>
    %swap3A = arith.constant 0 : index
    %swap3A_34 = arith.constant 0 : index
    %swap3A_35 = vector.load %arg7[%swap3A, %swap3A_34] : memref<400x128xf32, #tpu.memory_space<vmem>>, vector<400x128xf32>
    tpu.vector_store %arg7[%swap3A, %swap3A_34], %dot_general3A_33 {strides = array<i32>} : memref<400x128xf32, #tpu.memory_space<vmem>>, vector<400x128xf32>,
    %get3A_36 = arith.constant 0 : index
    %get3A_37 = arith.constant 0 : index
    %get3A_38 = vector.load %arg5[%get3A_36, %get3A_37] : memref<128x128xf32, #tpu.memory_space<vmem>>, vector<128x128xf32>
    %dot_general3A_39 = arith.constant dense<0.000000e+00> : vector<400x128xf32>
    %dot_general3A_40 = tpu.matmul %max3A_29, %get3A_38, %dot_general3A_39 {dimension_numbers = #tpu.dot_dimension_numbers<[1], [0], [0], [1], [0, 0, 1, 1], [], []>, transpose_lhs_hint = false} : vector<400x128xf32>, vector<128x128xf32>, vector<400x128xf32> -> vector<400x128xf32>
    %get3A_41 = arith.constant 0 : index
    %get3A_42 = arith.constant 0 : index
    %get3A_43 = vector.load %arg6[%get3A_41, %get3A_42] : memref<1x128xf32, #tpu.memory_space<vmem>>, vector<1x128xf32>
    %add3A_44 = vector.broadcast %get3A_43 : vector<1x128xf32> to vector<400x128xf32>
    %add3A_45 = arith.addf %dot_general3A_40, %add3A_44 : vector<400x128xf32>
    %swap3A_46 = arith.constant 0 : index
    %swap3A_47 = arith.constant 0 : index
    %swap3A_48 = vector.load %arg8[%swap3A_46, %swap3A_47] : memref<400x128xf32, #tpu.memory_space<vmem>>, vector<400x128xf32>
    tpu.vector_store %arg8[%swap3A_46, %swap3A_47], %add3A_45 {strides = array<i32>} : memref<400x128xf32, #tpu.memory_space<vmem>>, vector<400x128xf32>,
    return
  }
  func.func @transform_0(%arg0: i32) -> (i32, i32, i32) {
    %c0_i32 = arith.constant 0 : i32
    %c0_i32_0 = arith.constant 0 : i32
    %c0_i32_1 = arith.constant 0 : i32
    return %c0_i32, %arg0, %c0_i32_0 : i32, i32, i32
  }
  func.func @transform_1(%arg0: i32) -> (i32, i32, i32) {
    %c0_i32 = arith.constant 0 : i32
    %c0_i32_0 = arith.constant 0 : i32
    %c0_i32_1 = arith.constant 0 : i32
    return %c0_i32, %arg0, %c0_i32_0 : i32, i32, i32
  }
  func.func @transform_2(%arg0: i32) -> (i32, i32) {
    %c0_i32 = arith.constant 0 : i32
    %c0_i32_0 = arith.constant 0 : i32
    return %arg0, %c0_i32 : i32, i32
  }
  func.func @transform_3(%arg0: i32) -> (i32, i32) {
    %c0_i32 = arith.constant 0 : i32
    %c0_i32_0 = arith.constant 0 : i32
    %c0_i32_1 = arith.constant 0 : i32
    return %c0_i32, %c0_i32_0 : i32, i32
  }
  func.func @transform_4(%arg0: i32) -> (i32, i32) {
    %c0_i32 = arith.constant 0 : i32
    %c0_i32_0 = arith.constant 0 : i32
    %c0_i32_1 = arith.constant 0 : i32
    return %c0_i32, %c0_i32_0 : i32, i32
  }
  func.func @transform_5(%arg0: i32) -> (i32, i32) {
    %c0_i32 = arith.constant 0 : i32
    %c0_i32_0 = arith.constant 0 : i32
    %c0_i32_1 = arith.constant 0 : i32
    return %c0_i32, %c0_i32_0 : i32, i32
  }
  func.func @transform_6(%arg0: i32) -> (i32, i32) {
    %c0_i32 = arith.constant 0 : i32
    %c0_i32_0 = arith.constant 0 : i32
    return %arg0, %c0_i32 : i32, i32
  }
  func.func @transform_7(%arg0: i32) -> (i32, i32) {
    %c0_i32 = arith.constant 0 : i32
    %c0_i32_0 = arith.constant 0 : i32
    return %arg0, %c0_i32 : i32, i32
  }
}

module attributes {stable_mosaic.version = 14 : i64} {
  func.func @_fin_body(%arg0: i32, %arg1: memref<2x400x128xf32, #tpu.memory_space<vmem>>, %arg2: memref<2x400x1xf32, #tpu.memory_space<vmem>>, %arg3: memref<400x128xf32, #tpu.memory_space<vmem>>, %arg4: memref<400x128xf32, #tpu.memory_space<vmem>>) attributes {dimension_semantics = [#tpu.dimension_semantics<arbitrary>], iteration_bounds = array<i64: 25>, scalar_prefetch = 0 : i64, scratch_operands = 0 : i64, tpu.core_type = #tpu.core_type<tc>, window_params = [{transform_indices = @transform_0, window_bounds = array<i64: 2, 400, 128>}, {transform_indices = @transform_1, window_bounds = array<i64: 2, 400, 1>}, {transform_indices = @transform_2, window_bounds = array<i64: 400, 128>}, {transform_indices = @transform_3, window_bounds = array<i64: 400, 128>}]} {
    %get3A = arith.constant 0 : index
    %get3A_0 = arith.constant 0 : index
    %get3A_1 = arith.constant 0 : index
    %get3A_2 = vector.load %arg1[%get3A, %get3A_0, %get3A_1] : memref<2x400x128xf32, #tpu.memory_space<vmem>>, vector<1x400x128xf32>
    %get3A_3 = vector.shape_cast %get3A_2 : vector<1x400x128xf32> to vector<400x128xf32>
    %get3A_4 = arith.constant 1 : index
    %get3A_5 = arith.constant 0 : index
    %get3A_6 = arith.constant 0 : index
    %get3A_7 = vector.load %arg1[%get3A_4, %get3A_5, %get3A_6] : memref<2x400x128xf32, #tpu.memory_space<vmem>>, vector<1x400x128xf32>
    %get3A_8 = vector.shape_cast %get3A_7 : vector<1x400x128xf32> to vector<400x128xf32>
    %add3A = arith.addf %get3A_3, %get3A_8 : vector<400x128xf32>
    %get3A_9 = arith.constant 0 : index
    %get3A_10 = arith.constant 0 : index
    %get3A_11 = arith.constant 0 : index
    %get3A_12 = vector.load %arg2[%get3A_9, %get3A_10, %get3A_11] : memref<2x400x1xf32, #tpu.memory_space<vmem>>, vector<1x400x1xf32>
    %get3A_13 = vector.shape_cast %get3A_12 : vector<1x400x1xf32> to vector<400x1xf32>
    %get3A_14 = arith.constant 1 : index
    %get3A_15 = arith.constant 0 : index
    %get3A_16 = arith.constant 0 : index
    %get3A_17 = vector.load %arg2[%get3A_14, %get3A_15, %get3A_16] : memref<2x400x1xf32, #tpu.memory_space<vmem>>, vector<1x400x1xf32>
    %get3A_18 = vector.shape_cast %get3A_17 : vector<1x400x1xf32> to vector<400x1xf32>
    %add3A_19 = arith.addf %get3A_13, %get3A_18 : vector<400x1xf32>
    %max3A = arith.constant 1.000000e+00 : f32
    %max3A_20 = vector.broadcast %max3A : f32 to vector<400x1xf32>
    %max3A_21 = arith.maximumf %add3A_19, %max3A_20 : vector<400x1xf32>
    %div3A = vector.broadcast %max3A_21 : vector<400x1xf32> to vector<400x128xf32>
    %div3A_22 = arith.divf %add3A, %div3A : vector<400x128xf32>
    %get3A_23 = arith.constant 0 : index
    %get3A_24 = arith.constant 0 : index
    %get3A_25 = vector.load %arg3[%get3A_23, %get3A_24] : memref<400x128xf32, #tpu.memory_space<vmem>>, vector<400x128xf32>
    %add3A_26 = arith.addf %div3A_22, %get3A_25 : vector<400x128xf32>
    %swap3A = arith.constant 0 : index
    %swap3A_27 = arith.constant 0 : index
    %swap3A_28 = vector.load %arg4[%swap3A, %swap3A_27] : memref<400x128xf32, #tpu.memory_space<vmem>>, vector<400x128xf32>
    tpu.vector_store %arg4[%swap3A, %swap3A_27], %add3A_26 {strides = array<i32>} : memref<400x128xf32, #tpu.memory_space<vmem>>, vector<400x128xf32>,
    return
  }
  func.func @transform_0(%arg0: i32) -> (i32, i32, i32) {
    %c0_i32 = arith.constant 0 : i32
    %c0_i32_0 = arith.constant 0 : i32
    %c0_i32_1 = arith.constant 0 : i32
    return %c0_i32, %arg0, %c0_i32_0 : i32, i32, i32
  }
  func.func @transform_1(%arg0: i32) -> (i32, i32, i32) {
    %c0_i32 = arith.constant 0 : i32
    %c0_i32_0 = arith.constant 0 : i32
    %c0_i32_1 = arith.constant 0 : i32
    return %c0_i32, %arg0, %c0_i32_0 : i32, i32, i32
  }
  func.func @transform_2(%arg0: i32) -> (i32, i32) {
    %c0_i32 = arith.constant 0 : i32
    %c0_i32_0 = arith.constant 0 : i32
    return %arg0, %c0_i32 : i32, i32
  }
  func.func @transform_3(%arg0: i32) -> (i32, i32) {
    %c0_i32 = arith.constant 0 : i32
    %c0_i32_0 = arith.constant 0 : i32
    return %arg0, %c0_i32 : i32, i32
  }
}

</mosaic_0001>

<sc_bundles>
// kernel: kernel.10.cloned.1.call-start
scs
__scs_entry_jumppad:
0x0: {  	(pc) =	sbr.rel $0x88, $3  }
0x1: {  	(tag) =	ssettag $0x0;
	lr =	simm.s32 $0x1  }
0x2: {  	[smem:$0x3F99] =	sst lr;
	_ =	strace $0xD0000000  }
0x3: {  	_ = 	snop  }
0x4: {  	_ = 	snop  }
0x5: {  	_ = 	snop  }
0x6: {  	_ = 	snop  }
0x7: {  	_ = 	snop  }
__scs_overlays_trampoline_lowered:
0x8: {  	[smem:$0x3FA8] =	sst s0  }
0x9: {  	[smem:$0x3FA9] =	sst s1  }
0xa: {  	[smem:$0x3FAA] =	sst s2  }
0xb: {  	[smem:$0x3FAB] =	sst s3  }
0xc: {  	[smem:$0x3FAC] =	sst s4  }
0xd: {  	[smem:$0x3FAD] =	sst s5  }
0xe: {  	[smem:$0x3FAE] =	sst s6  }
0xf: {  	[smem:$0x3FAF] =	sst s7  }
0x10: {  	[smem:$0x3FB0] =	sst s8  }
0x11: {  	[smem:$0x3FB1] =	sst s9;
	s0 =	simm.s32 @!p0 $0x0  }
0x12: {  	s1 =	sld [smem:$0x3F97];
	s0 =	simm.s32 @p0 $0x1  }
0x13: {  	[smem:$0x3FB2] =	sst s0;
	s0 =	simm.s32 @!p1 $0x0  }
0x14: {  	s2 =	sld [smem:$0x3F96];
	s0 =	simm.s32 @p1 $0x1  }
0x15: {  	[smem:$0x3FB3] =	sst s0;
	s0 =	simm.s32 @!p2 $0x0  }
0x16: {  	s3 =	sld [smem:$0x3FDB];
	s0 =	simm.s32 @p2 $0x1  }
0x17: {  	s4 =	simm.s32 $0x1BF5;
	[smem:$0x3FB5] =	sst s0  }
0x18: {  	s0 =	sld [smem:$0x3F98];
	_ =	swait.ge [sflag:s4], $0x0  }
0x19: {  	s7 =	sld [smem:$0x3F99]  }
0x1a: {  	s8 =	sadd.s32 $0xFFFFE003, lr  }
0x1b: {  	s9 =	sadd.s32 $0xFFFFFEF7, lr;
	s5 =	simm.s32 $0xFFFFFFFF;
	p2 =	slt.u32 s8, $0xFFFFF086  }
0x1c: {  	p1 =	slt.u32 s9, $0xF7A;
	s5 =	simm.s32 @!p2 $0x0  }
0x1d: {  	s5 =	simm.s32 @p1 $0x1;
	p0 =	seq.s32 s7, s2  }
0x1e: {  	s7 =	smul.u32 @!p0 $0xF7A, s2;
	p2 =	seq.s32 @!p0 s5, $0x0  }
0x1f: {  	s9 =	smul.u32 $0xF7A, s1;
	s8 =	simm.s32 @!p0 $0x1BF5;
	p2 =	por !p2, p0  }
0x20: {  	[sflag:s8] =	ssyncset.s32 @!p0 $0xFFFFF086;
	s6 =	sadd.s32 @!p0 s3, s7;
	s7 =	simm.s32 @!p0 $0x108  }
0x21: {  	s3 =	sadd.s32 s3, s9;
	s6 =	sadd.s32 @!p0 $0x88, s6;
	s7 =	simm.s32 @p2 $0x1082  }
0x22: {  	[simem:s7], [sflag:s8] =	dma.local @!p0 [hbm:s6], $0xF7A  }
0x23: {  	s9 =	sor.u32 $0xD0000000, s2;
	s6 =	simm.s32 $0x108;
	_ =	swait.ge @!p0 [sflag:s8], $0x0  }
0x24: {  	s3 =	sadd.s32 $0x88, s3;
	s6 =	simm.s32 @!p1 $0x1082;
	[sflag:s4] =	ssyncset.s32 $0xFFFFF086  }
0x25: {  	[simem:s6], [sflag:s4] =	dma.local [hbm:s3], $0xF7A  }
0x26: {  	[smem:$0x3F99] =	sst s1;
	(tag) =	ssettag s2;
	_ =	strace s9  }
0x27: {  	s1 =	sld [smem:$0x3FA9]  }
0x28: {  	s2 =	sld [smem:$0x3FAA]  }
0x29: {  	s4 =	sld [smem:$0x3FAC]  }
0x2a: {  	p0 =	seq.s32 s5, $0x0;
	s5 =	sld [smem:$0x3FAD]  }
0x2b: {  	s6 =	sld [smem:$0x3FAE]  }
0x2c: {  	s7 =	sld [smem:$0x3FAF]  }
0x2d: {  	s3 =	simm.s32 $0x108;
	s8 =	sld [smem:$0x3FB0]  }
0x2e: {  	s3 =	simm.s32 @!p0 $0x1082;
	s9 =	sld [smem:$0x3FB1]  }
0x2f: {  	lr =	sadd.s32 s0, s3;
	s0 =	sld [smem:$0x3FA8]  }
0x30: {  	s3 =	sld [smem:$0x3FAB]  }
0x31: {  	[smem:$0x3FB4] =	sst s10  }
0x32: {  	s10 =	sld [smem:$0x3FB2];
	_ =	sdelay $0x3  }
0x33: {  	p0 =	seq.s32 s10, $0x1;
	s10 =	sld [smem:$0x3FB4];
	_ =	sdelay $0x3  }
0x34: {  	[smem:$0x3FB4] =	sst s10  }
0x35: {  	s10 =	sld [smem:$0x3FB3];
	_ =	sdelay $0x3  }
0x36: {  	p1 =	seq.s32 s10, $0x1;
	s10 =	sld [smem:$0x3FB4];
	_ =	sdelay $0x3  }
0x37: {  	[smem:$0x3FB4] =	sst s10  }
0x38: {  	s10 =	sld [smem:$0x3FB5]  }
0x39: {  	_ = 	snop;
	(pc) =	sbr.ind lr, $3  }
0x3a: {  	_ = 	snop  }
0x3b: {  	_ = 	snop  }
0x3c: {  	p2 =	seq.s32 s10, $0x1;
	s10 =	sld [smem:$0x3FB4]  }
0x3d: {  	_ =	shalt  }
0x3e: {  	_ =	shalt  }
0x3f: {  	_ =	shalt  }
0x40: {  	_ =	shalt  }
0x41: {  	_ =	shalt  }
0x42: {  	_ =	shalt  }
0x43: {  	_ =	shalt  }
0x44: {  	_ =	shalt  }
0x45: {  	_ =	shalt  }
0x46: {  	_ =	shalt  }
0x47: {  	_ =	shalt  }
0x48: {  	_ =	shalt  }
0x49: {  	_ =	shalt  }
0x4a: {  	_ =	shalt  }
0x4b: {  	_ =	shalt  }
0x4c: {  	_ =	shalt  }
0x4d: {  	_ =	shalt  }
0x4e: {  	_ =	shalt  }
0x4f: {  	_ =	shalt  }
0x50: {  	_ =	shalt  }
0x51: {  	_ =	shalt  }
0x52: {  	_ =	shalt  }
0x53: {  	_ =	shalt  }
0x54: {  	_ =	shalt  }
0x55: {  	_ =	shalt  }
0x56: {  	_ =	shalt  }
0x57: {  	_ =	shalt  }
0x58: {  	_ =	shalt  }
0x59: {  	_ =	shalt  }
0x5a: {  	_ =	shalt  }
0x5b: {  	_ =	shalt  }
0x5c: {  	_ =	shalt  }
0x5d: {  	_ =	shalt  }
0x5e: {  	_ =	shalt  }
0x5f: {  	_ =	shalt  }
0x60: {  	_ =	shalt  }
0x61: {  	_ =	shalt  }
0x62: {  	_ =	shalt  }
0x63: {  	_ =	shalt  }
0x64: {  	_ =	shalt  }
0x65: {  	_ =	shalt  }
0x66: {  	_ =	shalt  }
0x67: {  	_ =	shalt  }
0x68: {  	_ =	shalt  }
0x69: {  	_ =	shalt  }
0x6a: {  	_ =	shalt  }
0x6b: {  	_ =	shalt  }
0x6c: {  	_ =	shalt  }
0x6d: {  	_ =	shalt  }
0x6e: {  	_ =	shalt  }
0x6f: {  	_ =	shalt  }
0x70: {  	_ =	shalt  }
0x71: {  	_ =	shalt  }
0x72: {  	_ =	shalt  }
0x73: {  	_ =	shalt  }
0x74: {  	_ =	shalt  }
0x75: {  	_ =	shalt  }
0x76: {  	_ =	shalt  }
0x77: {  	_ =	shalt  }
0x78: {  	_ =	shalt  }
0x79: {  	_ =	shalt  }
0x7a: {  	_ =	shalt  }
0x7b: {  	_ =	shalt  }
0x7c: {  	_ =	shalt  }
0x7d: {  	_ =	shalt  }
0x7e: {  	_ =	shalt  }
0x7f: {  	_ =	shalt  }
0x80: {  	_ =	shalt  }
0x81: {  	_ =	shalt  }
0x82: {  	_ =	shalt  }
0x83: {  	_ =	shalt  }
0x84: {  	_ =	shalt  }
0x85: {  	_ =	shalt  }
0x86: {  	_ =	shalt  }
0x87: {  	_ =	shalt  }
.Lfunc_end0:
.L_simem_size_0:
called_computation.1_lowered:
.L_overlay_start_0:
0x88: {  	s2 =	sld [smem:$0x3FD9]  }
0x89: {  	s3 =	sld [smem:$0x3FFE];
	_ =	sdelay $0x1  }
0x8a: {  	s1 =	srdreg.scid  }
0x8b: {  	s0 =	sand.u32 $0x1, s1  }
0x8c: {  	s17 =	sshll.u32 s0, $0xA;
	s2 =	sadd.s32 s3, s2  }
0x8d: {  	s2 =	sadd.s32 s2, s17  }
0x8e: {  	[smem:$0x3FC0] =	sst s2  }
0x8f: {  	_ = 	snop  }
0x90: {  	s2 =	sld [smem:$0x3FD0];
	(tm) =	ssettm $0x1  }
0x91: {  	s18 =	sld [smem:$0x3FFB];
	_ =	sdelay $0x3  }
0x92: {  	_ =	strace s18  }
0x93: {  	s3 =	sld [smem:$0x3FFC];
	_ =	sdelay $0x3  }
0x94: {  	_ =	strace s3  }
0x95: {  	s3 =	sld [smem:$0x3FFD];
	_ =	sdelay $0x3  }
0x96: {  	_ =	strace s3  }
0x97: {  	_ =	strace $0x8FFFFFFF  }
0x98: {  	s19 =	sld [smem:$0x3FDB];
	_ =	sdelay $0x1  }
0x99: {  	s4 =	simm.s32 $_scs_section_size  }
0x9a: {  	s5 =	simm.s32 $_size__tile_overlayer_lowered;
	s6 =	simm.s32 $_tile_overlayer_lowered  }
0x9b: {  	s22 =	simm.s32 $0x1BFF;
	s21 =	sshll.u32 s6, $0x1;
	s3 =	sadd.s32 s4, s19  }
0x9c: {  	s7 =	simm.s32 $0x0;
	s20 =	sshll.u32 s5, $0x1;
	s5 =	sadd.s32 s21, s3  }
0x9d: {  	[timem:s7], [sflag:s22] =	dma.local [hbm:s5], s20  }
0x9e: {  	_ =	swait.ge [sflag:s22], s20  }
0x9f: {  	s4 =	ssub.s32 $0x0, s20;
	[sflag:s22] =	ssyncset.done $0x0  }
0xa0: {  	[sflag:s22] =	ssyncadd.s32 s4;
	_ =	sdelay $0x1  }
0xa1: {  	s23 =	simm.s32 $0x1B8B  }
0xa2: {  	_ =	swait.ge [sflag:s23], $0x1  }
0xa3: {  	[sflag:s23] =	ssyncset.done $0x0  }
0xa4: {  	s25 =	simm.s32 $0x1B8E;
	s24 =	sld [smem:$0x3FFE];
	[sflag:s23] =	ssyncadd.s32 $0xFFFFFFFF  }
0xa5: {  	s26 =	simm.s32 $execute0_lowered;
	[smem:$0x3FD2] =	sst s25  }
0xa6: {  	s5 =	sshll.u32 s26, $0x1;
	_ =	strace $0x80000049;
	[dreg:$0x1] =	wrdreg $0xFFFFFFFF  }
0xa7: {  	s28 =	simm.s32 $_size_execute0_lowered;
	s3 =	sadd.s32 s3, s5;
	[dreg:$0x0] =	wrdreg $0x0  }
0xa8: {  	s5 =	sshll.u32 s28, $0x1;
	[dreg:$0x2] =	wrdreg s3  }
0xa9: {  	[dreg:$0x3] =	wrdreg s5  }
0xaa: {  	[dreg:$0x4] =	wrdreg $0xC0  }
0xab: {  	_ =	task [dreg:s7], $0x5FFFF  }
0xac: {  	[dreg:$0x1] =	wrdreg $0xFFFFFFFF  }
0xad: {  	[dreg:$0x0] =	wrdreg $0x60  }
0xae: {  	[dreg:$0x2] =	wrdreg s2  }
0xaf: {  	[dreg:$0x3] =	wrdreg s24  }
0xb0: {  	[dreg:$0x4] =	wrdreg $0x8F000  }
0xb1: {  	[dreg:$0x5] =	wrdreg $0x9  }
0xb2: {  	_ =	task.clear_ibuf [dreg:s7], $0x6FFFF;
	_ =	strace $0x90000049  }
0xb3: {  	s29 =	simm.s32 $0x9;
	_ =	strace $0x8000004B  }
0xb4: {  	_ =	swait.ge [sflag:s29], $0x1  }
0xb5: {  	[sflag:s29] =	ssyncadd.s32 $0xFFFFFFFF  }
0xb6: {  	_ =	strace $0x9000004B  }
0xb7: {  	_ =	sfence  }
0xb8: {  	s30 =	sld [smem:$0x0];
	_ =	sdelay $0x2  }
0xb9: {  	s31 =	sshll.u32 s1, $0xD;
	s1 =	sshrl.u32 s1, $0x2  }
0xba: {  	s3 =	sand.u32 $0x4000, s31;
	s1 =	sadd.s32 s1, s30  }
0xbb: {  	s0 =	sor.u32 s3, s0;
	s1 =	sshll.u32 s1, $0x11  }
0xbc: {  	s0 =	sor.u32 s1, s0  }
0xbd: {  	s0 =	sadd.s32 $0x8F2B, s0  }
0xbe: {  	[sflag:s0] =	ssyncadd.remote.s32 $0x1  }
0xbf: {  	_ =	sfence.sel $0xFFFF  }
0xc0: {  	[dreg:$0x0] =	wrdreg $0xFFFFFFFF;
	(pc) =	sbr.abs _section_cstart, $3  }
0xc1: {  	[dreg:$0x1] =	wrdreg $0xFFFFFFFF  }
0xc2: {  	_ =	task.clear_ibuf [dreg:s7], $0x2FFFF;
	_ =	strace $0x9FFFFFFF  }
0xc3: {  	(tm) =	ssettm $0x7FFFFFFF  }
tec
execute0_lowered:
.L_overlay_start_1:
0x0: {  	(tag) =	ssettag $0x1  }
0x1: {  	s1 =	rddreg [dreg:$0x0]  }
0x2: {  	s0 =	srdreg.scid;
	s6 =	rddreg [dreg:$0x1]  }
0x3: {  	s3 =	rddreg [dreg:$0x2];
	s4 =	simm.s32 $0x0;
	s14 =	simm.s32 $0x40  }
0x4: {  	s15 =	simm.s32 $0x4F00;
	s16 =	simm.s32 $0x6F00;
	s17 =	simm.s32 $0x1  }
0x5: {  	s18 =	simm.s32 $0x2;
	s5 =	sand.u32 $0x1, s0;
	s0 =	stileid.u32  }
0x6: {  	s19 =	simm.s32 $0x80;
	s20 =	simm.s32 $0x0;
	s8 =	smul.u32 $0x13C00, s0  }
0x7: {  	[smem:$0x7FF] =	sst s4;
	s2 =	sshll.u32 s5, $0x4;
	s9 =	smul.u32 $0x13C000, s5  }
0x8: {  	s5 =	ssub.s32 $0x2, s5;
	s31 =	sshll.u32 s0, $0x6;
	s2 =	sor.u32 s0, s2  }
0x9: {  	s11 =	sshrl.u32 s5, $0x1;
	s7 =	smul.u32 $0x4F0, s2;
	s2 =	rddreg [dreg:$0x3]  }
0xa: {  	_ =	strace $0x8000004A;
	s29 =	sadd.s32 s8, s9;
	s30 =	sshrl.u32 s8, $0x3  }
0xb: {  	s11 =	ssub.s32 s5, s11;
	s13 =	sadd.s32 s8, s3;
	s9 =	sadd.s32 s30, s6  }
0xc: {  	s10 =	sadd.s32 s7, s6;
	s7 =	sshrl.u32 s29, $0x3;
	s5 =	sadd.s32 $0x16000, s9  }
0xd: {  	s12 =	sadd.s32 s7, s6;
	s6 =	sor.u32 $0x1C03, s31;
	s7 =	sadd.s32 $0xBA00, s10  }
0xe: {  	s8 =	sadd.s32 $0x1C00, s10;
	s10 =	smax.u32 s11, $0x1;
	s11 =	sshrl.u32 s13, $0x3  }
0xf: {  	s13 =	simm.s32 $0x2780;
	s9 =	sadd.s32 $0x3D800, s12;
	s12 =	simm.s32 $0x3  }
.LBB2_1:
0x10: {  	[spmem:s11], [sflag:s6] =	dma.local [hbm:s5], $0x2780  }
0x11: {  	_ =	swait.ge [sflag:s12], $0x2780  }
0x12: {  	[sflag:s12] =	ssyncset.done $0x0  }
0x13: {  	[sflag:s12] =	ssyncadd.s32 $0xFFFFD880  }
0x14: {  	[tilespmem:s4], [sflag:$0x3] =	stream.linear.gather [hbm4b:s7+s4], $0x2780, $0x38;
	[tilespmem:$0x1CB00] =	vst v63  }
0x15: {  	_ =	swait.ge [sflag:s12], $0x2780  }
0x16: {  	[sflag:s12] =	ssyncset.done $0x0  }
0x17: {  	[sflag:s12] =	ssyncadd.s32 $0xFFFFD880  }
0x18: {  	[tilespmem:s13], [sflag:$0x3] =	stream.linear.gather [hbm4b:s8+s4], $0x2780, $0x38;
	[tilespmem:$0x1CB00] =	vst v63  }
0x19: {  	_ =	swait.ge [sflag:s12], $0x2780  }
0x1a: {  	[sflag:s12] =	ssyncset.done $0x0  }
0x1b: {  	[sflag:s12] =	ssyncadd.s32 $0xFFFFD880  }
0x1c: {  	s21 =	simm.s32 $0x0;
	[bflag:$0x0] =	sbarrier.arrive $0xFFFF  }
0x1d: {  	[tilespmem:s15], [sflag:$0x1] =	stream.indirect.gather [hbm4b:s1+s14], $0x80, s21, s14, $0xb8;
	[tilespmem:$0x1CB00] =	vst v63  }
0x1e: {  	s30 =	simm.s32 $0x40  }
0x1f: {  	[tilespmem:s16], [sflag:$0x2] =	stream.indirect.gather [hbm4b:s1+s14], $0x80, s30, s14, $0xb8;
	[tilespmem:$0x1CB00] =	vst v63  }
0x20: {  	_ =	swait.ge [sflag:s17], $0x2000  }
0x21: {  	[sflag:s17] =	ssyncset.done $0x0  }
0x22: {  	[sflag:s17] =	ssyncadd.s32 $0xFFFFE000  }
0x23: {  	_ =	swait.ge [sflag:s18], $0x2000  }
0x24: {  	[sflag:s18] =	ssyncset.done $0x0  }
0x25: {  	s31 =	simm.s32 $0x2780;
	[sflag:s18] =	ssyncadd.s32 $0xFFFFE000  }
0x26: {  	[spmem:s3] =	stream.indirect.scatter.add.f32 [tilespmem:s15], [sflag:$0x3], $0x80, s31, s19, $0xb8;
	[tilespmem:$0x1CB00] =	vst v63  }
0x27: {  	_ =	swait.ge [sflag:s12], $0x4000  }
0x28: {  	s22 =	simm.s32 $0x400;
	s21 =	simm.s32 $0x200;
	[sflag:s12] =	ssyncset.done $0x0  }
.LBB2_2:
0x29: {  	s23 =	sshra.s32 s21, $0x2  }
0x2a: {  	[sflag:s12] =	ssyncadd.s32 $0xFFFFC000;
	s21 =	smov.u32 s22;
	s24 =	sadd.s32 $0x200, s22  }
0x2b: {  	[tilespmem:s15], [sflag:$0x1] =	stream.indirect.gather [hbm4b:s1+s14], $0x80, s23, s14, $0xb8;
	[tilespmem:$0x1CB00] =	vst v63  }
0x2c: {  	p0 =	sne.s32 s22, $0x9C00;
	s22 =	sadd.s32 $0x40, s23  }
0x2d: {  	[tilespmem:s16], [sflag:$0x2] =	stream.indirect.gather [hbm4b:s1+s14], $0x80, s22, s14, $0xb8;
	[tilespmem:$0x1CB00] =	vst v63  }
0x2e: {  	_ =	swait.ge [sflag:s17], $0x2000  }
0x2f: {  	[sflag:s17] =	ssyncset.done $0x0  }
0x30: {  	[sflag:s17] =	ssyncadd.s32 $0xFFFFE000  }
0x31: {  	_ =	swait.ge [sflag:s18], $0x2000  }
.Ltmp0:
0x32: {  	[sflag:s18] =	ssyncset.done $0x0;
	(pc) =	sbr.rel @p0 .LBB2_2-.Ltmp0, $4  }
0x33: {  	s22 =	sadd.s32 $0x2780, s23;
	[sflag:s18] =	ssyncadd.s32 $0xFFFFE000  }
0x34: {  	[spmem:s3] =	stream.indirect.scatter.add.f32 [tilespmem:s15], [sflag:$0x3], $0x80, s22, s19, $0xb8;
	[tilespmem:$0x1CB00] =	vst v63  }
0x35: {  	_ =	swait.ge [sflag:s12], $0x4000  }
0x36: {  	s22 =	smov.u32 s24;
	[sflag:s12] =	ssyncset.done $0x0  }
0x37: {  	s21 =	sshra.s32 s21, $0x2;
	[sflag:s12] =	ssyncadd.s32 $0xFFFFC000  }
0x38: {  	[tilespmem:s15], [sflag:$0x1] =	stream.indirect.gather [hbm4b:s1+s14], $0x80, s21, s14, $0xb8;
	[tilespmem:$0x1CB00] =	vst v63  }
0x39: {  	s22 =	sadd.s32 $0x40, s21  }
0x3a: {  	[tilespmem:s16], [sflag:$0x2] =	stream.indirect.gather [hbm4b:s1+s14], $0x80, s22, s14, $0xb8;
	[tilespmem:$0x1CB00] =	vst v63  }
0x3b: {  	_ =	swait.ge [sflag:s17], $0x2000  }
0x3c: {  	[sflag:s17] =	ssyncset.done $0x0  }
0x3d: {  	[sflag:s17] =	ssyncadd.s32 $0xFFFFE000  }
0x3e: {  	_ =	swait.ge [sflag:s18], $0x2000  }
0x3f: {  	[sflag:s18] =	ssyncset.done $0x0  }
0x40: {  	s21 =	sadd.s32 $0x2780, s21;
	[sflag:s18] =	ssyncadd.s32 $0xFFFFE000  }
0x41: {  	[spmem:s3] =	stream.indirect.scatter.add.f32 [tilespmem:s15], [sflag:$0x3], $0x80, s21, s19, $0xb8;
	[tilespmem:$0x1CB00] =	vst v63  }
0x42: {  	_ =	swait.ge [sflag:s12], $0x4000  }
0x43: {  	s20 =	sadd.s32 $0x1, s20;
	[sflag:s12] =	ssyncset.done $0x0  }
0x44: {  	p0 =	sne.s32 s20, s10;
	[sflag:s12] =	ssyncadd.s32 $0xFFFFC000  }
.Ltmp1:
0x45: {  	[bflag:$0x0] =	sbarrier.arrive $0xFFFF;
	(pc) =	sbr.rel @p0 .LBB2_1-.Ltmp1, $4  }
0x46: {  	[hbm:s9], [sflag:s6] =	dma.local [spmem:s11], $0x2780  }
0x47: {  	_ =	swait.ge [sflag:s12], $0x2780  }
0x48: {  	[sflag:s12] =	ssyncset.done $0x0  }
0x49: {  	[sflag:s12] =	ssyncadd.s32 $0xFFFFD880  }
0x4a: {  	_ =	sfence.sel $0x180000  }
0x4b: {  	[bflag:$0x0] =	sbarrier.arrive $0xFFFF  }
0x4c: {  	p0 =	sne.s32 s0, $0x0;
	_ =	strace $0x9000004A  }
0x4d: {  	s0 =	sadd.s32 @!p0 $0x100000, s2;
	[bflag:$0x2] =	sbarrier.arrive $0xFFFF  }
0x4e: {  	[sflag:s0] =	ssyncadd.tile.s32 @!p0 $0x1;
	_ =	shalt  }
.Lfunc_end2:
_tile_overlayer_lowered:
.L_overlay_start_2:
0x4f: {  	(tag) =	ssettag $0x2  }
0x50: {  	s0 =	rddreg [dreg:$0x0];
	s2 =	stileid.u32  }
0x51: {  	s1 =	rddreg [dreg:$0x1];
	p0 =	sne.s32 s2, $0x0  }
0x52: {  	s3 =	rddreg [dreg:$0x2];
	[bflag:$0x3] =	sbarrier.arrive $0xFFFF;
	s2 =	simm.s32 @!p0 $0x1C03  }
0x53: {  	[timem:s3], [sflag:s2] =	dma.local @!p0 [hbm:s0], s1  }
0x54: {  	s0 =	simm.s32 @!p0 $0x3  }
0x55: {  	_ =	swait.ge @!p0 [sflag:s0], s1  }
0x56: {  	s1 =	ssub.s32 @!p0 $0x0, s1;
	[sflag:s0] =	ssyncset.done @!p0 $0x0  }
0x57: {  	[sflag:s0] =	ssyncadd.s32 @!p0 s1  }
0x58: {  	[bflag:$0x3] =	sbarrier.arrive $0xFFFF  }
0x59: {  	_ =	shalt  }

// kernel: kernel.7.cloned.1.call-start
scs
__scs_entry_jumppad:
0x0: {  	(pc) =	sbr.rel $0x88, $3  }
0x1: {  	(tag) =	ssettag $0x0;
	lr =	simm.s32 $0x1  }
0x2: {  	[smem:$0x3F99] =	sst lr;
	_ =	strace $0xD0000000  }
0x3: {  	_ = 	snop  }
0x4: {  	_ = 	snop  }
0x5: {  	_ = 	snop  }
0x6: {  	_ = 	snop  }
0x7: {  	_ = 	snop  }
__scs_overlays_trampoline_lowered:
0x8: {  	[smem:$0x3FA8] =	sst s0  }
0x9: {  	[smem:$0x3FA9] =	sst s1  }
0xa: {  	[smem:$0x3FAA] =	sst s2  }
0xb: {  	[smem:$0x3FAB] =	sst s3  }
0xc: {  	[smem:$0x3FAC] =	sst s4  }
0xd: {  	[smem:$0x3FAD] =	sst s5  }
0xe: {  	[smem:$0x3FAE] =	sst s6  }
0xf: {  	[smem:$0x3FAF] =	sst s7  }
0x10: {  	[smem:$0x3FB0] =	sst s8  }
0x11: {  	[smem:$0x3FB1] =	sst s9;
	s0 =	simm.s32 @!p0 $0x0  }
0x12: {  	s1 =	sld [smem:$0x3F97];
	s0 =	simm.s32 @p0 $0x1  }
0x13: {  	[smem:$0x3FB2] =	sst s0;
	s0 =	simm.s32 @!p1 $0x0  }
0x14: {  	s2 =	sld [smem:$0x3F96];
	s0 =	simm.s32 @p1 $0x1  }
0x15: {  	[smem:$0x3FB3] =	sst s0;
	s0 =	simm.s32 @!p2 $0x0  }
0x16: {  	s3 =	sld [smem:$0x3FDB];
	s0 =	simm.s32 @p2 $0x1  }
0x17: {  	s4 =	simm.s32 $0x1BF5;
	[smem:$0x3FB5] =	sst s0  }
0x18: {  	s0 =	sld [smem:$0x3F98];
	_ =	swait.ge [sflag:s4], $0x0  }
0x19: {  	s7 =	sld [smem:$0x3F99]  }
0x1a: {  	s8 =	sadd.s32 $0xFFFFE003, lr  }
0x1b: {  	s9 =	sadd.s32 $0xFFFFFEF7, lr;
	s5 =	simm.s32 $0xFFFFFFFF;
	p2 =	slt.u32 s8, $0xFFFFF086  }
0x1c: {  	p1 =	slt.u32 s9, $0xF7A;
	s5 =	simm.s32 @!p2 $0x0  }
0x1d: {  	s5 =	simm.s32 @p1 $0x1;
	p0 =	seq.s32 s7, s2  }
0x1e: {  	s7 =	smul.u32 @!p0 $0xF7A, s2;
	p2 =	seq.s32 @!p0 s5, $0x0  }
0x1f: {  	s9 =	smul.u32 $0xF7A, s1;
	s8 =	simm.s32 @!p0 $0x1BF5;
	p2 =	por !p2, p0  }
0x20: {  	[sflag:s8] =	ssyncset.s32 @!p0 $0xFFFFF086;
	s6 =	sadd.s32 @!p0 s3, s7;
	s7 =	simm.s32 @!p0 $0x108  }
0x21: {  	s3 =	sadd.s32 s3, s9;
	s6 =	sadd.s32 @!p0 $0x88, s6;
	s7 =	simm.s32 @p2 $0x1082  }
0x22: {  	[simem:s7], [sflag:s8] =	dma.local @!p0 [hbm:s6], $0xF7A  }
0x23: {  	s9 =	sor.u32 $0xD0000000, s2;
	s6 =	simm.s32 $0x108;
	_ =	swait.ge @!p0 [sflag:s8], $0x0  }
0x24: {  	s3 =	sadd.s32 $0x88, s3;
	s6 =	simm.s32 @!p1 $0x1082;
	[sflag:s4] =	ssyncset.s32 $0xFFFFF086  }
0x25: {  	[simem:s6], [sflag:s4] =	dma.local [hbm:s3], $0xF7A  }
0x26: {  	[smem:$0x3F99] =	sst s1;
	(tag) =	ssettag s2;
	_ =	strace s9  }
0x27: {  	s1 =	sld [smem:$0x3FA9]  }
0x28: {  	s2 =	sld [smem:$0x3FAA]  }
0x29: {  	s4 =	sld [smem:$0x3FAC]  }
0x2a: {  	p0 =	seq.s32 s5, $0x0;
	s5 =	sld [smem:$0x3FAD]  }
0x2b: {  	s6 =	sld [smem:$0x3FAE]  }
0x2c: {  	s7 =	sld [smem:$0x3FAF]  }
0x2d: {  	s3 =	simm.s32 $0x108;
	s8 =	sld [smem:$0x3FB0]  }
0x2e: {  	s3 =	simm.s32 @!p0 $0x1082;
	s9 =	sld [smem:$0x3FB1]  }
0x2f: {  	lr =	sadd.s32 s0, s3;
	s0 =	sld [smem:$0x3FA8]  }
0x30: {  	s3 =	sld [smem:$0x3FAB]  }
0x31: {  	[smem:$0x3FB4] =	sst s10  }
0x32: {  	s10 =	sld [smem:$0x3FB2];
	_ =	sdelay $0x3  }
0x33: {  	p0 =	seq.s32 s10, $0x1;
	s10 =	sld [smem:$0x3FB4];
	_ =	sdelay $0x3  }
0x34: {  	[smem:$0x3FB4] =	sst s10  }
0x35: {  	s10 =	sld [smem:$0x3FB3];
	_ =	sdelay $0x3  }
0x36: {  	p1 =	seq.s32 s10, $0x1;
	s10 =	sld [smem:$0x3FB4];
	_ =	sdelay $0x3  }
0x37: {  	[smem:$0x3FB4] =	sst s10  }
0x38: {  	s10 =	sld [smem:$0x3FB5]  }
0x39: {  	_ = 	snop;
	(pc) =	sbr.ind lr, $3  }
0x3a: {  	_ = 	snop  }
0x3b: {  	_ = 	snop  }
0x3c: {  	p2 =	seq.s32 s10, $0x1;
	s10 =	sld [smem:$0x3FB4]  }
0x3d: {  	_ =	shalt  }
0x3e: {  	_ =	shalt  }
0x3f: {  	_ =	shalt  }
0x40: {  	_ =	shalt  }
0x41: {  	_ =	shalt  }
0x42: {  	_ =	shalt  }
0x43: {  	_ =	shalt  }
0x44: {  	_ =	shalt  }
0x45: {  	_ =	shalt  }
0x46: {  	_ =	shalt  }
0x47: {  	_ =	shalt  }
0x48: {  	_ =	shalt  }
0x49: {  	_ =	shalt  }
0x4a: {  	_ =	shalt  }
0x4b: {  	_ =	shalt  }
0x4c: {  	_ =	shalt  }
0x4d: {  	_ =	shalt  }
0x4e: {  	_ =	shalt  }
0x4f: {  	_ =	shalt  }
0x50: {  	_ =	shalt  }
0x51: {  	_ =	shalt  }
0x52: {  	_ =	shalt  }
0x53: {  	_ =	shalt  }
0x54: {  	_ =	shalt  }
0x55: {  	_ =	shalt  }
0x56: {  	_ =	shalt  }
0x57: {  	_ =	shalt  }
0x58: {  	_ =	shalt  }
0x59: {  	_ =	shalt  }
0x5a: {  	_ =	shalt  }
0x5b: {  	_ =	shalt  }
0x5c: {  	_ =	shalt  }
0x5d: {  	_ =	shalt  }
0x5e: {  	_ =	shalt  }
0x5f: {  	_ =	shalt  }
0x60: {  	_ =	shalt  }
0x61: {  	_ =	shalt  }
0x62: {  	_ =	shalt  }
0x63: {  	_ =	shalt  }
0x64: {  	_ =	shalt  }
0x65: {  	_ =	shalt  }
0x66: {  	_ =	shalt  }
0x67: {  	_ =	shalt  }
0x68: {  	_ =	shalt  }
0x69: {  	_ =	shalt  }
0x6a: {  	_ =	shalt  }
0x6b: {  	_ =	shalt  }
0x6c: {  	_ =	shalt  }
0x6d: {  	_ =	shalt  }
0x6e: {  	_ =	shalt  }
0x6f: {  	_ =	shalt  }
0x70: {  	_ =	shalt  }
0x71: {  	_ =	shalt  }
0x72: {  	_ =	shalt  }
0x73: {  	_ =	shalt  }
0x74: {  	_ =	shalt  }
0x75: {  	_ =	shalt  }
0x76: {  	_ =	shalt  }
0x77: {  	_ =	shalt  }
0x78: {  	_ =	shalt  }
0x79: {  	_ =	shalt  }
0x7a: {  	_ =	shalt  }
0x7b: {  	_ =	shalt  }
0x7c: {  	_ =	shalt  }
0x7d: {  	_ =	shalt  }
0x7e: {  	_ =	shalt  }
0x7f: {  	_ =	shalt  }
0x80: {  	_ =	shalt  }
0x81: {  	_ =	shalt  }
0x82: {  	_ =	shalt  }
0x83: {  	_ =	shalt  }
0x84: {  	_ =	shalt  }
0x85: {  	_ =	shalt  }
0x86: {  	_ =	shalt  }
0x87: {  	_ =	shalt  }
.Lfunc_end0:
.L_simem_size_0:
called_computation_lowered:
.L_overlay_start_0:
0x88: {  	s2 =	sld [smem:$0x3FD9]  }
0x89: {  	s3 =	sld [smem:$0x3FFE];
	_ =	sdelay $0x1  }
0x8a: {  	s1 =	srdreg.scid  }
0x8b: {  	s0 =	sand.u32 $0x1, s1  }
0x8c: {  	s17 =	sshll.u32 s0, $0xA;
	s2 =	sadd.s32 s3, s2  }
0x8d: {  	s2 =	sadd.s32 s2, s17  }
0x8e: {  	[smem:$0x3FC0] =	sst s2  }
0x8f: {  	_ = 	snop  }
0x90: {  	s2 =	sld [smem:$0x3FD0];
	(tm) =	ssettm $0x1  }
0x91: {  	s18 =	sld [smem:$0x3FFB];
	_ =	sdelay $0x3  }
0x92: {  	_ =	strace s18  }
0x93: {  	s3 =	sld [smem:$0x3FFC];
	_ =	sdelay $0x3  }
0x94: {  	_ =	strace s3  }
0x95: {  	s3 =	sld [smem:$0x3FFD];
	_ =	sdelay $0x3  }
0x96: {  	_ =	strace s3  }
0x97: {  	_ =	strace $0x8FFFFFFF  }
0x98: {  	s19 =	sld [smem:$0x3FDB];
	_ =	sdelay $0x1  }
0x99: {  	s4 =	simm.s32 $_scs_section_size  }
0x9a: {  	s5 =	simm.s32 $_size__tile_overlayer_lowered;
	s6 =	simm.s32 $_tile_overlayer_lowered  }
0x9b: {  	s22 =	simm.s32 $0x1BFF;
	s21 =	sshll.u32 s6, $0x1;
	s3 =	sadd.s32 s4, s19  }
0x9c: {  	s7 =	simm.s32 $0x0;
	s20 =	sshll.u32 s5, $0x1;
	s5 =	sadd.s32 s21, s3  }
0x9d: {  	[timem:s7], [sflag:s22] =	dma.local [hbm:s5], s20  }
0x9e: {  	_ =	swait.ge [sflag:s22], s20  }
0x9f: {  	s4 =	ssub.s32 $0x0, s20;
	[sflag:s22] =	ssyncset.done $0x0  }
0xa0: {  	[sflag:s22] =	ssyncadd.s32 s4;
	_ =	sdelay $0x1  }
0xa1: {  	s23 =	simm.s32 $0x1B8B  }
0xa2: {  	_ =	swait.ge [sflag:s23], $0x1  }
0xa3: {  	[sflag:s23] =	ssyncset.done $0x0  }
0xa4: {  	s25 =	simm.s32 $0x1B8E;
	s24 =	sld [smem:$0x3FFE];
	[sflag:s23] =	ssyncadd.s32 $0xFFFFFFFF  }
0xa5: {  	s26 =	simm.s32 $execute0_lowered;
	[smem:$0x3FD2] =	sst s25  }
0xa6: {  	s5 =	sshll.u32 s26, $0x1;
	_ =	strace $0x80000046;
	[dreg:$0x1] =	wrdreg $0xFFFFFFFF  }
0xa7: {  	s28 =	simm.s32 $_size_execute0_lowered;
	s3 =	sadd.s32 s3, s5;
	[dreg:$0x0] =	wrdreg $0x0  }
0xa8: {  	s5 =	sshll.u32 s28, $0x1;
	[dreg:$0x2] =	wrdreg s3  }
0xa9: {  	[dreg:$0x3] =	wrdreg s5  }
0xaa: {  	[dreg:$0x4] =	wrdreg $0xC0  }
0xab: {  	_ =	task [dreg:s7], $0x5FFFF  }
0xac: {  	[dreg:$0x1] =	wrdreg $0xFFFFFFFF  }
0xad: {  	[dreg:$0x0] =	wrdreg $0x60  }
0xae: {  	[dreg:$0x2] =	wrdreg s2  }
0xaf: {  	[dreg:$0x3] =	wrdreg s24  }
0xb0: {  	[dreg:$0x4] =	wrdreg $0x91F80  }
0xb1: {  	[dreg:$0x5] =	wrdreg $0x1CDF80  }
0xb2: {  	[dreg:$0x6] =	wrdreg $0x9  }
0xb3: {  	_ =	task.clear_ibuf [dreg:s7], $0x7FFFF;
	_ =	strace $0x90000046  }
0xb4: {  	s29 =	simm.s32 $0x9;
	_ =	strace $0x80000048  }
0xb5: {  	_ =	swait.ge [sflag:s29], $0x1  }
0xb6: {  	[sflag:s29] =	ssyncadd.s32 $0xFFFFFFFF  }
0xb7: {  	_ =	strace $0x90000048  }
0xb8: {  	_ =	sfence  }
0xb9: {  	s30 =	sld [smem:$0x0];
	_ =	sdelay $0x2  }
0xba: {  	s31 =	sshll.u32 s1, $0xD;
	s1 =	sshrl.u32 s1, $0x2  }
0xbb: {  	s3 =	sand.u32 $0x4000, s31;
	s1 =	sadd.s32 s1, s30  }
0xbc: {  	s0 =	sor.u32 s3, s0;
	s1 =	sshll.u32 s1, $0x11  }
0xbd: {  	s0 =	sor.u32 s1, s0  }
0xbe: {  	s0 =	sadd.s32 $0x8F2B, s0  }
0xbf: {  	[sflag:s0] =	ssyncadd.remote.s32 $0x1  }
0xc0: {  	_ =	sfence.sel $0xFFFF  }
0xc1: {  	[dreg:$0x0] =	wrdreg $0xFFFFFFFF;
	(pc) =	sbr.abs _section_cstart, $3  }
0xc2: {  	[dreg:$0x1] =	wrdreg $0xFFFFFFFF  }
0xc3: {  	_ =	task.clear_ibuf [dreg:s7], $0x2FFFF;
	_ =	strace $0x9FFFFFFF  }
0xc4: {  	(tm) =	ssettm $0x7FFFFFFF  }
0xc5: {  	_ =	shalt  }
tec
execute0_lowered:
.L_overlay_start_1:
0x0: {  	(tag) =	ssettag $0x1  }
0x1: {  	s1 =	rddreg [dreg:$0x0]  }
0x2: {  	s9 =	rddreg [dreg:$0x1]  }
0x3: {  	s3 =	rddreg [dreg:$0x2]  }
0x4: {  	s0 =	srdreg.scid;
	s4 =	rddreg [dreg:$0x3]  }
0x5: {  	s5 =	simm.s32 $0x0;
	s19 =	simm.s32 $0x8F80;
	s20 =	simm.s32 $0x8F00  }
0x6: {  	s21 =	simm.s32 $0x40;
	s22 =	simm.s32 $0x4F00;
	s23 =	simm.s32 $0x6F00  }
0x7: {  	s24 =	simm.s32 $0x1;
	s8 =	sand.u32 $0x1, s0;
	s0 =	stileid.u32  }
0x8: {  	s25 =	simm.s32 $0x2;
	s26 =	simm.s32 $0x80;
	s10 =	smul.u32 $0x13C00, s0  }
0x9: {  	s28 =	simm.s32 $0x0;
	[smem:$0x7FF] =	sst s5;
	s11 =	smul.u32 $0x13C000, s8  }
0xa: {  	s2 =	sshll.u32 s8, $0x4;
	_ =	strace $0x80000047;
	s12 =	smul.u32 $0x278, s0  }
0xb: {  	s15 =	smul.u32 $0x2780, s8;
	s8 =	ssub.s32 $0x2, s8;
	s2 =	sor.u32 s0, s2  }
0xc: {  	s31 =	sshll.u32 s0, $0x6;
	s30 =	sshrl.u32 s8, $0x1;
	s6 =	smul.u32 $0x4F0, s2  }
0xd: {  	s7 =	sshrl.u32 s10, $0x3;
	s11 =	sadd.s32 s10, s11;
	s15 =	sadd.s32 s12, s15  }
0xe: {  	s18 =	sadd.s32 s10, s3;
	s12 =	sadd.s32 s12, s4;
	s14 =	sadd.s32 s7, s9  }
0xf: {  	s7 =	sadd.s32 $0x15800, s9;
	s11 =	sshrl.u32 s11, $0x3;
	s29 =	sshrl.u32 s15, $0x3  }
0x10: {  	s15 =	ssub.s32 s8, s30;
	s13 =	sadd.s32 s6, s9;
	s6 =	sadd.s32 $0x15A00, s9  }
0x11: {  	s16 =	sadd.s32 s11, s9;
	s17 =	sadd.s32 s29, s9;
	s8 =	sadd.s32 $0x16000, s14  }
0x12: {  	s9 =	sor.u32 $0x1C03, s31;
	s15 =	smax.u32 s15, $0x1;
	s10 =	sadd.s32 $0xBA00, s13  }
0x13: {  	s11 =	sadd.s32 $0x1C00, s13;
	s13 =	sadd.s32 $0x3E200, s16;
	s14 =	sadd.s32 $0x3D800, s17  }
0x14: {  	s16 =	sshrl.u32 s18, $0x3;
	s17 =	simm.s32 $0x3;
	s18 =	simm.s32 $0x2780  }
.LBB2_1:
0x15: {  	[spmem:s16], [sflag:s9] =	dma.local [hbm:s8], $0x2780  }
0x16: {  	_ =	swait.ge [sflag:s17], $0x2780  }
0x17: {  	[sflag:s17] =	ssyncset.done $0x0  }
0x18: {  	[sflag:s17] =	ssyncadd.s32 $0xFFFFD880  }
0x19: {  	[tilespmem:s5], [sflag:$0x3] =	stream.linear.gather [hbm4b:s10+s5], $0x2780, $0x38;
	[tilespmem:$0x1D070] =	vst v63  }
0x1a: {  	_ =	swait.ge [sflag:s17], $0x2780  }
0x1b: {  	[sflag:s17] =	ssyncset.done $0x0  }
0x1c: {  	[sflag:s17] =	ssyncadd.s32 $0xFFFFD880  }
0x1d: {  	[tilespmem:s18], [sflag:$0x3] =	stream.linear.gather [hbm4b:s11+s5], $0x2780, $0x38;
	[tilespmem:$0x1D070] =	vst v63  }
0x1e: {  	_ =	swait.ge [sflag:s17], $0x2780  }
0x1f: {  	[sflag:s17] =	ssyncset.done $0x0  }
0x20: {  	[sflag:s17] =	ssyncadd.s32 $0xFFFFD880  }
0x21: {  	[tilespmem:s19], [sflag:$0x3] =	stream.linear.gather [hbm4b:s6+s5], $0x278, $0x38;
	[tilespmem:$0x1D070] =	vst v63  }
0x22: {  	_ =	swait.ge [sflag:s17], $0x278  }
0x23: {  	[sflag:s17] =	ssyncset.done $0x0  }
0x24: {  	[sflag:s17] =	ssyncadd.s32 $0xFFFFFD88  }
0x25: {  	[spmem:s12] =	stream.linear.scatter [tilespmem:s19], [sflag:$0x3], $0x278, $0x38;
	[tilespmem:$0x1D070] =	vst v63  }
0x26: {  	_ =	swait.ge [sflag:s17], $0x278  }
0x27: {  	[sflag:s17] =	ssyncset.done $0x0  }
0x28: {  	[sflag:s17] =	ssyncadd.s32 $0xFFFFFD88  }
0x29: {  	[tilespmem:s20], [sflag:$0x3] =	stream.linear.gather [hbm4b:s7+s5], $0x80, $0x38;
	[tilespmem:$0x1D070] =	vst v63  }
0x2a: {  	_ =	swait.ge [sflag:s17], $0x80  }
0x2b: {  	[sflag:s17] =	ssyncset.done $0x0  }
0x2c: {  	[sflag:s17] =	ssyncadd.s32 $0xFFFFFF80  }
0x2d: {  	s29 =	simm.s32 $0x0;
	[bflag:$0x0] =	sbarrier.arrive $0xFFFF  }
0x2e: {  	[tilespmem:s22], [sflag:$0x1] =	stream.indirect.gather [hbm4b:s1+s21], $0x80, s29, s21, $0xb8;
	[tilespmem:$0x1D070] =	vst v63  }
0x2f: {  	s29 =	simm.s32 $0x40  }
0x30: {  	[tilespmem:s23], [sflag:$0x2] =	stream.indirect.gather [hbm4b:s1+s21], $0x80, s29, s21, $0xb8;
	[tilespmem:$0x1D070] =	vst v63  }
0x31: {  	_ =	swait.ge [sflag:s24], $0x2000  }
0x32: {  	[sflag:s24] =	ssyncset.done $0x0  }
0x33: {  	[sflag:s24] =	ssyncadd.s32 $0xFFFFE000  }
0x34: {  	_ =	swait.ge [sflag:s25], $0x2000  }
0x35: {  	[sflag:s25] =	ssyncset.done $0x0  }
0x36: {  	s29 =	simm.s32 $0x2780;
	[sflag:s25] =	ssyncadd.s32 $0xFFFFE000  }
0x37: {  	[spmem:s3] =	stream.indirect.scatter.add.f32 [tilespmem:s22], [sflag:$0x3], $0x80, s29, s26, $0xb8;
	[tilespmem:$0x1D070] =	vst v63  }
0x38: {  	_ =	swait.ge [sflag:s17], $0x4000  }
0x39: {  	[sflag:s17] =	ssyncset.done $0x0  }
0x3a: {  	[sflag:s17] =	ssyncadd.s32 $0xFFFFC000  }
0x3b: {  	[spmem:s4] =	stream.indirect.scatter.add.f32 [tilespmem:s20], [sflag:$0x3], $0x1, s29, s26, $0xb8;
	[tilespmem:$0x1D070] =	vst v63  }
0x3c: {  	_ =	swait.ge [sflag:s17], $0x80  }
0x3d: {  	s30 =	simm.s32 $0x400;
	s29 =	simm.s32 $0x200;
	[sflag:s17] =	ssyncset.done $0x0  }
.LBB2_2:
0x3e: {  	s31 =	sshra.s32 s29, $0x2  }
0x3f: {  	[sflag:s17] =	ssyncadd.s32 $0xFFFFFF80;
	s29 =	smov.u32 s30;
	s2 =	sadd.s32 $0x200, s30  }
0x40: {  	[tilespmem:s22], [sflag:$0x1] =	stream.indirect.gather [hbm4b:s1+s21], $0x80, s31, s21, $0xb8;
	[tilespmem:$0x1D070] =	vst v63  }
0x41: {  	p0 =	sne.s32 s30, $0x9C00;
	s30 =	sadd.s32 $0x40, s31  }
0x42: {  	[tilespmem:s23], [sflag:$0x2] =	stream.indirect.gather [hbm4b:s1+s21], $0x80, s30, s21, $0xb8;
	[tilespmem:$0x1D070] =	vst v63  }
0x43: {  	_ =	swait.ge [sflag:s24], $0x2000  }
0x44: {  	[sflag:s24] =	ssyncset.done $0x0  }
0x45: {  	[sflag:s24] =	ssyncadd.s32 $0xFFFFE000  }
0x46: {  	_ =	swait.ge [sflag:s25], $0x2000  }
0x47: {  	[sflag:s25] =	ssyncset.done $0x0  }
0x48: {  	s30 =	sadd.s32 $0x2780, s31;
	[sflag:s25] =	ssyncadd.s32 $0xFFFFE000  }
0x49: {  	[spmem:s3] =	stream.indirect.scatter.add.f32 [tilespmem:s22], [sflag:$0x3], $0x80, s30, s26, $0xb8;
	[tilespmem:$0x1D070] =	vst v63  }
0x4a: {  	_ =	swait.ge [sflag:s17], $0x4000  }
.Ltmp0:
0x4b: {  	[sflag:s17] =	ssyncset.done $0x0;
	(pc) =	sbr.rel @p0 .LBB2_2-.Ltmp0, $4  }
0x4c: {  	[sflag:s17] =	ssyncadd.s32 $0xFFFFC000  }
0x4d: {  	[spmem:s4] =	stream.indirect.scatter.add.f32 [tilespmem:s20], [sflag:$0x3], $0x1, s30, s26, $0xb8;
	[tilespmem:$0x1D070] =	vst v63  }
0x4e: {  	_ =	swait.ge [sflag:s17], $0x80  }
0x4f: {  	s30 =	smov.u32 s2;
	[sflag:s17] =	ssyncset.done $0x0  }
0x50: {  	s2 =	sshra.s32 s29, $0x2;
	[sflag:s17] =	ssyncadd.s32 $0xFFFFFF80  }
0x51: {  	[tilespmem:s22], [sflag:$0x1] =	stream.indirect.gather [hbm4b:s1+s21], $0x80, s2, s21, $0xb8;
	[tilespmem:$0x1D070] =	vst v63  }
0x52: {  	s29 =	sadd.s32 $0x40, s2  }
0x53: {  	[tilespmem:s23], [sflag:$0x2] =	stream.indirect.gather [hbm4b:s1+s21], $0x80, s29, s21, $0xb8;
	[tilespmem:$0x1D070] =	vst v63  }
0x54: {  	_ =	swait.ge [sflag:s24], $0x2000  }
0x55: {  	[sflag:s24] =	ssyncset.done $0x0  }
0x56: {  	[sflag:s24] =	ssyncadd.s32 $0xFFFFE000  }
0x57: {  	_ =	swait.ge [sflag:s25], $0x2000  }
0x58: {  	[sflag:s25] =	ssyncset.done $0x0  }
0x59: {  	s2 =	sadd.s32 $0x2780, s2;
	[sflag:s25] =	ssyncadd.s32 $0xFFFFE000  }
0x5a: {  	[spmem:s3] =	stream.indirect.scatter.add.f32 [tilespmem:s22], [sflag:$0x3], $0x80, s2, s26, $0xb8;
	[tilespmem:$0x1D070] =	vst v63  }
0x5b: {  	_ =	swait.ge [sflag:s17], $0x4000  }
0x5c: {  	[sflag:s17] =	ssyncset.done $0x0  }
0x5d: {  	[sflag:s17] =	ssyncadd.s32 $0xFFFFC000  }
0x5e: {  	[spmem:s4] =	stream.indirect.scatter.add.f32 [tilespmem:s20], [sflag:$0x3], $0x1, s2, s26, $0xb8;
	[tilespmem:$0x1D070] =	vst v63  }
0x5f: {  	_ =	swait.ge [sflag:s17], $0x80  }
0x60: {  	[sflag:s17] =	ssyncset.done $0x0  }
0x61: {  	[sflag:s17] =	ssyncadd.s32 $0xFFFFFF80  }
0x62: {  	[bflag:$0x0] =	sbarrier.arrive $0xFFFF  }
0x63: {  	[hbm:s13], [sflag:s9] =	dma.local [spmem:s16], $0x2780  }
0x64: {  	_ =	swait.ge [sflag:s17], $0x2780  }
0x65: {  	[sflag:s17] =	ssyncset.done $0x0  }
0x66: {  	[sflag:s17] =	ssyncadd.s32 $0xFFFFD880  }
0x67: {  	[tilespmem:s19], [sflag:$0x3] =	stream.linear.gather [spmem:s12], $0x278, $0x38;
	[tilespmem:$0x1D070] =	vst v63  }
0x68: {  	s28 =	sadd.s32 $0x1, s28;
	_ =	swait.ge [sflag:s17], $0x278  }
0x69: {  	p0 =	sne.s32 s28, s15;
	[sflag:s17] =	ssyncset.done $0x0  }
.Ltmp1:
0x6a: {  	[sflag:s17] =	ssyncadd.s32 $0xFFFFFD88;
	(pc) =	sbr.rel @p0 .LBB2_1-.Ltmp1, $4  }
0x6b: {  	[hbm4b:s14+s5] =	stream.linear.scatter [tilespmem:s19], [sflag:$0x3], $0x278, $0x38;
	[tilespmem:$0x1D070] =	vst v63  }
0x6c: {  	_ =	swait.ge [sflag:s17], $0x278  }
0x6d: {  	[sflag:s17] =	ssyncset.done $0x0  }
0x6e: {  	[sflag:s17] =	ssyncadd.s32 $0xFFFFFD88  }
0x6f: {  	_ =	sfence.sel $0x180000  }
0x70: {  	[bflag:$0x0] =	sbarrier.arrive $0xFFFF  }
0x71: {  	_ =	strace $0x90000047  }
0x72: {  	[bflag:$0x2] =	sbarrier.arrive $0xFFFF  }
0x73: {  	p0 =	sne.s32 s0, $0x0;
	s0 =	rddreg [dreg:$0x4]  }
0x74: {  	s0 =	sadd.s32 @!p0 $0x100000, s0  }
0x75: {  	[sflag:s0] =	ssyncadd.tile.s32 @!p0 $0x1;
	_ =	shalt  }
.Lfunc_end2:
_tile_overlayer_lowered:
.L_overlay_start_2:
0x76: {  	(tag) =	ssettag $0x2  }
0x77: {  	s0 =	rddreg [dreg:$0x0];
	s2 =	stileid.u32  }
0x78: {  	s1 =	rddreg [dreg:$0x1];
	p0 =	sne.s32 s2, $0x0  }
0x79: {  	s3 =	rddreg [dreg:$0x2];
	[bflag:$0x3] =	sbarrier.arrive $0xFFFF;
	s2 =	simm.s32 @!p0 $0x1C03  }
0x7a: {  	[timem:s3], [sflag:s2] =	dma.local @!p0 [hbm:s0], s1  }
0x7b: {  	s0 =	simm.s32 @!p0 $0x3  }
0x7c: {  	_ =	swait.ge @!p0 [sflag:s0], s1  }
0x7d: {  	s1 =	ssub.s32 @!p0 $0x0, s1;
	[sflag:s0] =	ssyncset.done @!p0 $0x0  }
0x7e: {  	[sflag:s0] =	ssyncadd.s32 @!p0 s1  }
0x7f: {  	[bflag:$0x3] =	sbarrier.arrive $0xFFFF  }
0x80: {  	_ =	shalt  }

</sc_bundles>
